<compile_context>
chip_gen: v7x
topology: tpu7x:2x2x1
jax: 0.10.2.dev20260603
libtpu: 0.0.44.dev20260713+nightly
codegen_flags: <defaults>
</compile_context>

<pallas_src>
import jax
import jax.numpy as jnp
from jax import lax
from jax.experimental import pallas as pl
from jax.experimental.pallas import tpu as pltpu
from jax.experimental.pallas import tpu_sc as plsc

_N = 10000
_E = 320000
_F = 128
_NC = 2
_NS = 16
_NW = _NC * _NS
_NPAD = 10240
_TROWS = _NPAD // _NS
_EC = 125
_NCH = _E // _EC
_CPT = _NCH // _NW

_mesh = plsc.VectorSubcoreMesh(core_axis_name="c", subcore_axis_name="s")


def _fill(buf, value):
    v = jnp.full((16,), value, jnp.float32)

    @pl.loop(0, _EC)
    def _(i):
        for j in range(0, _F, 16):
            buf[i, pl.ds(j, 16)] = v


def _zero_acc_slice(src, acc, s, sem):
    for i in range(_TROWS // _EC):
        pltpu.async_copy(src, acc.at[pl.ds(s * _TROWS + i * _EC, _EC)], sem)

    rem = _TROWS - (_TROWS // _EC) * _EC
    if rem:
        pltpu.async_copy(src.at[pl.ds(0, rem)],
                         acc.at[pl.ds(s * _TROWS + (_TROWS // _EC) * _EC, rem)],
                         sem)


def _zero_acc_wait(src, acc, s, sem):
    for i in range(_TROWS // _EC):
        pltpu.make_async_copy(
            src, acc.at[pl.ds(s * _TROWS + i * _EC, _EC)], sem).wait()

    rem = _TROWS - (_TROWS // _EC) * _EC
    if rem:
        pltpu.make_async_copy(
            src.at[pl.ds(0, rem)],
            acc.at[pl.ds(s * _TROWS + (_TROWS // _EC) * _EC, rem)],
            sem).wait()


_EPT = _E // _NW
_HR = _NPAD // _F


def _deg_body(col_hbm, out_hbm, cvm, hist, iot, acc):
    c = lax.axis_index("c")
    s = lax.axis_index("s")
    w = c * _NS + s

    @pl.loop(0, _HR)
    def _(i):
        for j in range(0, _F, 16):
            hist[i, pl.ds(j, 16)] = jnp.zeros((16,), jnp.float32)

    @pl.when(s == 0)
    def _():
        pltpu.sync_copy(hist, acc)

    for i in range(_HR // 16):
        iot[0, 0, pl.ds(i * 16, 16)] = (
            lax.iota(jnp.int32, 16) + jnp.int32(i * 16))

    pltpu.sync_copy(col_hbm.at[w], cvm)

    ones = jnp.ones((16,), jnp.float32)

    @pl.loop(0, _EPT // 16 // 5)
    def _(k):
        for u in range(5):
            idxv = cvm[k * 5 + u, :]
            hi = lax.shift_right_logical(idxv, 7)
            lo2 = lax.bitwise_and(idxv, 127)
            plsc.addupdate_scatter(hist, [hi, lo2], ones)

    plsc.subcore_barrier()
    pltpu.sync_copy(hist, acc.at[iot.at[0, 0]], add=True)
    plsc.subcore_barrier()

    @pl.when(s == 0)
    def _():
        pltpu.sync_copy(acc, out_hbm.at[pl.ds(c * _HR, _HR)])


def _gs_body(y_hbm, row_hbm, col_hbm, out_hbm,
             ridx, cstg, rows0, rows1, acc, sem0, sem1, semc0, semc1, semz):
    c = lax.axis_index("c")
    s = lax.axis_index("s")
    w = c * _NS + s
    lo = w * _CPT

    pltpu.sync_copy(row_hbm.at[pl.ds(lo, _CPT)], ridx)

    _fill(rows1, 0.0)
    _zero_acc_slice(rows1, acc, s, semz)

    half = _CPT // 2
    pltpu.async_copy(col_hbm.at[pl.ds(lo, 1)], cstg.at[pl.ds(0, 1)], semc0)
    pltpu.async_copy(col_hbm.at[pl.ds(lo + 1, 1)], cstg.at[pl.ds(1, 1)], semc1)
    pltpu.async_copy(y_hbm.at[ridx.at[0, 0]], rows0, sem0)

    _zero_acc_wait(rows1, acc, s, semz)
    pltpu.async_copy(y_hbm.at[ridx.at[1, 0]], rows1, sem1)

    plsc.subcore_barrier()

    @pl.loop(0, half)
    def _(t):
        j0 = 2 * t

        pltpu.make_async_copy(y_hbm.at[ridx.at[j0, 0]], rows0, sem0).wait()
        pltpu.make_async_copy(col_hbm.at[pl.ds(lo, 1)],
                              cstg.at[pl.ds(0, 1)], semc0).wait()
        pltpu.sync_copy(rows0, acc.at[cstg.at[0, 0]], add=True)

        @pl.when(t < half - 1)
        def _():
            pltpu.async_copy(col_hbm.at[pl.ds(lo + j0 + 2, 1)],
                             cstg.at[pl.ds(0, 1)], semc0)
            pltpu.async_copy(y_hbm.at[ridx.at[j0 + 2, 0]], rows0, sem0)

        pltpu.make_async_copy(y_hbm.at[ridx.at[j0 + 1, 0]], rows1, sem1).wait()
        pltpu.make_async_copy(col_hbm.at[pl.ds(lo, 1)],
                              cstg.at[pl.ds(1, 1)], semc1).wait()
        pltpu.sync_copy(rows1, acc.at[cstg.at[1, 0]], add=True)

        @pl.when(t < half - 1)
        def _():
            pltpu.async_copy(col_hbm.at[pl.ds(lo + j0 + 3, 1)],
                             cstg.at[pl.ds(1, 1)], semc1)
            pltpu.async_copy(y_hbm.at[ridx.at[j0 + 3, 0]], rows1, sem1)

    plsc.subcore_barrier()
    pltpu.sync_copy(acc.at[pl.ds(s * _TROWS, _TROWS)],
                    out_hbm.at[pl.ds(c * _NPAD + s * _TROWS, _TROWS)])


def _build_deg(**kw):
    cp = pltpu.CompilerParams(needs_layout_passes=False)
    return pl.kernel(
        _deg_body,
        out_type=jax.ShapeDtypeStruct((_NC * _HR, _F), jnp.float32),
        mesh=_mesh,
        compiler_params=cp,
        scratch_types=[
            pltpu.VMEM((_EPT // 16, 16), jnp.int32),
            pltpu.VMEM((_HR, _F), jnp.float32),
            pltpu.VMEM((1, 1, _HR), jnp.int32),
            pltpu.VMEM_SHARED((_HR, _F), jnp.float32),
        ],
        **kw,
    )


def _build_gs(**kw):
    return pl.kernel(
        _gs_body,
        out_type=jax.ShapeDtypeStruct((_NC * _NPAD, _F), jnp.float32),
        mesh=_mesh,
        scratch_types=[
            pltpu.VMEM((_CPT, 1, _EC), jnp.int32),
            pltpu.VMEM((2, 1, _EC), jnp.int32),
            pltpu.VMEM((_EC, _F), jnp.float32),
            pltpu.VMEM((_EC, _F), jnp.float32),
            pltpu.VMEM_SHARED((_NPAD, _F), jnp.float32),
            pltpu.SemaphoreType.DMA,
            pltpu.SemaphoreType.DMA,
            pltpu.SemaphoreType.DMA,
            pltpu.SemaphoreType.DMA,
            pltpu.SemaphoreType.DMA,
        ],
        **kw,
    )


_deg_kernel = _build_deg()
_gather_scatter = _build_gs()

_BR = 1000


def _dinv_of(d):
    return lax.rsqrt(d[:, 0:1] + d[:, 1:2] + 1.0)


def _dot(a, b):
    return jnp.dot(a, b, preferred_element_type=jnp.float32,
                   precision=lax.Precision.HIGHEST)


def _mm_scale(x, W, degT):
    def body(x_ref, w_ref, d_ref, o_ref):
        dinv = _dinv_of(d_ref[...])
        o_ref[...] = _dot(x_ref[...], w_ref[...]) * dinv

    return pl.pallas_call(
        body,
        grid=(_N // _BR,),
        in_specs=[
            pl.BlockSpec((_BR, _F), lambda i: (i, 0)),
            pl.BlockSpec((_F, _F), lambda i: (0, 0)),
            pl.BlockSpec((_BR, 2), lambda i: (i, 0)),
        ],
        out_specs=pl.BlockSpec((_BR, _F), lambda i: (i, 0)),
        out_shape=jax.ShapeDtypeStruct((_N, _F), jnp.float32),
    )(x, W, degT)


def _mid(acc, y, degT, W, alpha):
    def body(a_ref, y_ref, d_ref, w_ref, al_ref, o_ref):
        dinv = _dinv_of(d_ref[...])
        z = (a_ref[0] + a_ref[1] + y_ref[...]) * dinv
        z = jnp.where(z >= 0, z, al_ref[...] * z)
        o_ref[...] = _dot(z, w_ref[...]) * dinv

    return pl.pallas_call(
        body,
        grid=(_N // _BR,),
        in_specs=[
            pl.BlockSpec((2, _BR, _F), lambda i: (0, i, 0)),
            pl.BlockSpec((_BR, _F), lambda i: (i, 0)),
            pl.BlockSpec((_BR, 2), lambda i: (i, 0)),
            pl.BlockSpec((_F, _F), lambda i: (0, 0)),
            pl.BlockSpec((1, _F), lambda i: (0, 0)),
        ],
        out_specs=pl.BlockSpec((_BR, _F), lambda i: (i, 0)),
        out_shape=jax.ShapeDtypeStruct((_N, _F), jnp.float32),
    )(acc, y, degT, W, alpha)


def _fin(acc, y, degT, alpha):
    def body(a_ref, y_ref, d_ref, al_ref, o_ref):
        dinv = _dinv_of(d_ref[...])
        z = (a_ref[0] + a_ref[1] + y_ref[...]) * dinv
        o_ref[...] = jnp.where(z >= 0, z, al_ref[...] * z)

    return pl.pallas_call(
        body,
        grid=(_N // _BR,),
        in_specs=[
            pl.BlockSpec((2, _BR, _F), lambda i: (0, i, 0)),
            pl.BlockSpec((_BR, _F), lambda i: (i, 0)),
            pl.BlockSpec((_BR, 2), lambda i: (i, 0)),
            pl.BlockSpec((1, _F), lambda i: (0, 0)),
        ],
        out_specs=pl.BlockSpec((_BR, _F), lambda i: (i, 0)),
        out_shape=jax.ShapeDtypeStruct((_N, _F), jnp.float32),
    )(acc, y, degT, alpha)


def kernel(data_x, edge_index, W1, alpha1, W2, alpha2):
    row2 = edge_index[0].reshape(_NCH, 1, _EC)
    col2 = edge_index[1].reshape(_NCH, 1, _EC)
    col3 = edge_index[1].reshape(_NW, _EPT // 16, 16)

    degT = _deg_kernel(col3).reshape(_NC, _NPAD).T

    y1 = _mm_scale(data_x, W1, degT)
    acc1 = _gather_scatter(y1, row2, col2).reshape(_NC, _NPAD, _F)
    y2 = _mid(acc1, y1, degT, W2, alpha1.reshape(1, _F))
    acc2 = _gather_scatter(y2, row2, col2).reshape(_NC, _NPAD, _F)
    return _fin(acc2, y2, degT, alpha2.reshape(1, _F))

# --- scband reference (transcript-rebuilt; emitter-appended) ---
"""Pipeline reference for scband-graph-encoder-43396349559171 (READ-ONLY COPY).

The authoritative reference and input builder live on the scoring server;
editing this copy changes nothing except your own understanding.
"""

import jax, jax.numpy as jnp
import numpy as np

N = 10000
E = 320000
D = 128
H = 128


def gcn_conv(x, edge_index, W, n):
    # x' = D^{-1/2} (A + I) D^{-1/2} X W  (PyG GCNConv, bias=False, add_self_loops=True)
    x = x @ W
    row = edge_index[0]
    col = edge_index[1]
    loop = jnp.arange(n, dtype=row.dtype)
    row = jnp.concatenate([row, loop])
    col = jnp.concatenate([col, loop])
    w = jnp.ones(row.shape[0], dtype=x.dtype)
    deg = jax.ops.segment_sum(w, col, num_segments=n)
    dinv = jnp.where(deg > 0, 1.0 / jnp.sqrt(deg), 0.0)
    norm = dinv[row] * dinv[col]
    msg = jnp.take(x, row, axis=0) * norm[:, None]
    return jax.ops.segment_sum(msg, col, num_segments=n)


def prelu(z, alpha):
    return jnp.where(z >= 0, z, alpha[None, :] * z)


def setup_inputs(seed: int = 0) -> dict:
    key = jax.random.key(seed)
    k1, k2, k3, k4 = jax.random.split(key, 4)
    data_x = jax.random.normal(k1, (N, D), dtype=jnp.float32)
    edge_index = jax.random.randint(k2, (2, E), 0, N, dtype=jnp.int32)
    # Learned parameters (GCNConv weights glorot-ish, PReLU alpha init 0.25 per channel)
    W1 = jax.random.normal(k3, (D, H), dtype=jnp.float32) * (1.0 / np.sqrt(D))
    W2 = jax.random.normal(k4, (H, H), dtype=jnp.float32) * (1.0 / np.sqrt(H))
    alpha1 = jnp.full((H,), 0.25, dtype=jnp.float32)
    alpha2 = jnp.full((H,), 0.25, dtype=jnp.float32)
    return {"data_x": data_x, "edge_index": edge_index, "W1": W1, "alpha1": alpha1, "W2": W2, "alpha2": alpha2}


def reference(data_x, edge_index, W1, alpha1, W2, alpha2):
    z = prelu(gcn_conv(data_x, edge_index, W1, N), alpha1)
    z = prelu(gcn_conv(z, edge_index, W2, N), alpha2)
    return z

if __name__ == "__main__":
    import jax
    _d = setup_inputs()
    print(jax.jit(kernel)(*tuple(_d.values())))

</pallas_src>

<mosaic_0001>
#map = affine_map<(d0, d1) -> (0, 0)>
#map1 = affine_map<(d0, d1) -> (0, 0, 0)>
module attributes {stable_mosaic.version = 14 : i64} {
  func.func @_gs_body(%arg0: i32, %arg1: i32, %arg2: memref<10000x128xf32, #tpu.memory_space<hbm>>, %arg3: memref<2560x1x125xi32, #tpu.memory_space<hbm>>, %arg4: memref<2560x1x125xi32, #tpu.memory_space<hbm>>, %arg5: memref<20480x128xf32, #tpu.memory_space<hbm>>, %arg6: memref<80x1x125xi32, #tpu.memory_space<vmem>>, %arg7: memref<2x1x125xi32, #tpu.memory_space<vmem>>, %arg8: memref<125x128xf32, #tpu.memory_space<vmem>>, %arg9: memref<125x128xf32, #tpu.memory_space<vmem>>, %arg10: memref<10240x128xf32, #tpu.memory_space<vmem_shared>>, %arg11: memref<!tpu.dma_semaphore, #tpu.memory_space<semaphore_mem>>, %arg12: memref<!tpu.dma_semaphore, #tpu.memory_space<semaphore_mem>>, %arg13: memref<!tpu.dma_semaphore, #tpu.memory_space<semaphore_mem>>, %arg14: memref<!tpu.dma_semaphore, #tpu.memory_space<semaphore_mem>>, %arg15: memref<!tpu.dma_semaphore, #tpu.memory_space<semaphore_mem>>) attributes {dimension_semantics = [#tpu.dimension_semantics<core_parallel>, #tpu.dimension_semantics<subcore_parallel>], iteration_bounds = array<i64: 2, 16>, scalar_prefetch = 0 : i64, scratch_operands = 10 : i64, tpu.core_type = #tpu.core_type<sc_vector_subcore>, window_params = [{transform_indices = #map}, {transform_indices = #map1}, {transform_indices = #map1}, {transform_indices = #map}]} {
    %mul3A = arith.constant 16 : i32
    %mul3A_0 = arith.muli %arg0, %mul3A : i32
    %add3A = arith.addi %mul3A_0, %arg1 : i32
    %mul3A_1 = arith.constant 80 : i32
    %mul3A_2 = arith.muli %add3A, %mul3A_1 : i32
    "tpu.region"() ({
      %run_scoped3A = tpu.sem_alloc : memref<!tpu.dma_semaphore, #tpu.memory_space<semaphore_mem>>
      %dma_start3A_173 = arith.constant 0 : i32
      %dma_start3A_174 = arith.constant 0 : i32
      %dma_start3A_175 = tpu.memref_slice %arg3[%mul3A_2, %dma_start3A_173, %dma_start3A_174] : memref<2560x1x125xi32, #tpu.memory_space<hbm>> -> memref<80x1x125xi32, #tpu.memory_space<hbm>>
      %dma_start3A_176 = arith.constant 0 : i32
      %dma_start3A_177 = arith.constant 0 : i32
      %dma_start3A_178 = tpu.memref_slice %arg3[%mul3A_2, %dma_start3A_176, %dma_start3A_177] : memref<2560x1x125xi32, #tpu.memory_space<hbm>> -> memref<80x1x125xi32, #tpu.memory_space<hbm>>
      tpu.enqueue_dma source(%dma_start3A_178 : memref<80x1x125xi32, #tpu.memory_space<hbm>>) target(%arg6 : memref<80x1x125xi32, #tpu.memory_space<vmem>>) target_semaphore(%run_scoped3A : memref<!tpu.dma_semaphore, #tpu.memory_space<semaphore_mem>>)
      %dma_wait3A_179 = arith.constant 0 : i32
      %dma_wait3A_180 = arith.constant 0 : i32
      %dma_wait3A_181 = tpu.memref_slice %arg3[%mul3A_2, %dma_wait3A_179, %dma_wait3A_180] : memref<2560x1x125xi32, #tpu.memory_space<hbm>> -> memref<80x1x125xi32, #tpu.memory_space<hbm>>
      %dma_wait3A_182 = arith.constant 0 : i32
      %dma_wait3A_183 = arith.constant 0 : i32
      %dma_wait3A_184 = tpu.memref_slice %arg3[%mul3A_2, %dma_wait3A_182, %dma_wait3A_183] : memref<2560x1x125xi32, #tpu.memory_space<hbm>> -> memref<80x1x125xi32, #tpu.memory_space<hbm>>
      tpu.wait_dma2 semaphore(%run_scoped3A : memref<!tpu.dma_semaphore, #tpu.memory_space<semaphore_mem>>) src(%dma_wait3A_184 : memref<80x1x125xi32, #tpu.memory_space<hbm>>) dst(%arg6 : memref<80x1x125xi32, #tpu.memory_space<vmem>>)
      tpu.yield
    }) : () -> ()
    %broadcast_in_dim3A = arith.constant 0.000000e+00 : f32
    %broadcast_in_dim3A_3 = vector.broadcast %broadcast_in_dim3A : f32 to vector<16xf32>
    %scan3A = arith.constant 0 : i32
    %scan3A_4 = arith.constant 125 : i32
    %scan3A_5 = arith.addi %scan3A, %scan3A_4 : i32
    %scan3A_6 = arith.constant 1 : i32
    scf.for %scan3A_173 = %scan3A to %scan3A_5 step %scan3A_6  : i32 {
      %mul3A_174 = arith.constant 1 : i32
      %mul3A_175 = arith.muli %scan3A_173, %mul3A_174 : i32
      %add3A_176 = arith.constant 0 : i32
      %add3A_177 = arith.addi %add3A_176, %mul3A_175 : i32
      %swap3A = arith.index_cast %add3A_177 : i32 to index
      %swap3A_178 = arith.constant 0 : index
      %swap3A_179 = tpu.vector_load %arg9[%swap3A, %swap3A_178] {strides = array<i32>} : memref<125x128xf32, #tpu.memory_space<vmem>>, vector<1x16xf32>,
      %swap3A_180 = vector.shape_cast %swap3A_179 : vector<1x16xf32> to vector<16xf32>
      %swap3A_181 = vector.shape_cast %broadcast_in_dim3A_3 : vector<16xf32> to vector<1x16xf32>
      tpu.vector_store %arg9[%swap3A, %swap3A_178], %swap3A_181 {strides = array<i32>} : memref<125x128xf32, #tpu.memory_space<vmem>>, vector<1x16xf32>,
      %swap3A_182 = arith.index_cast %add3A_177 : i32 to index
      %swap3A_183 = arith.constant 16 : index
      %swap3A_184 = tpu.vector_load %arg9[%swap3A_182, %swap3A_183] {strides = array<i32>} : memref<125x128xf32, #tpu.memory_space<vmem>>, vector<1x16xf32>,
      %swap3A_185 = vector.shape_cast %swap3A_184 : vector<1x16xf32> to vector<16xf32>
      %swap3A_186 = vector.shape_cast %broadcast_in_dim3A_3 : vector<16xf32> to vector<1x16xf32>
      tpu.vector_store %arg9[%swap3A_182, %swap3A_183], %swap3A_186 {strides = array<i32>} : memref<125x128xf32, #tpu.memory_space<vmem>>, vector<1x16xf32>,
      %swap3A_187 = arith.index_cast %add3A_177 : i32 to index
      %swap3A_188 = arith.constant 32 : index
      %swap3A_189 = tpu.vector_load %arg9[%swap3A_187, %swap3A_188] {strides = array<i32>} : memref<125x128xf32, #tpu.memory_space<vmem>>, vector<1x16xf32>,
      %swap3A_190 = vector.shape_cast %swap3A_189 : vector<1x16xf32> to vector<16xf32>
      %swap3A_191 = vector.shape_cast %broadcast_in_dim3A_3 : vector<16xf32> to vector<1x16xf32>
      tpu.vector_store %arg9[%swap3A_187, %swap3A_188], %swap3A_191 {strides = array<i32>} : memref<125x128xf32, #tpu.memory_space<vmem>>, vector<1x16xf32>,
      %swap3A_192 = arith.index_cast %add3A_177 : i32 to index
      %swap3A_193 = arith.constant 48 : index
      %swap3A_194 = tpu.vector_load %arg9[%swap3A_192, %swap3A_193] {strides = array<i32>} : memref<125x128xf32, #tpu.memory_space<vmem>>, vector<1x16xf32>,
      %swap3A_195 = vector.shape_cast %swap3A_194 : vector<1x16xf32> to vector<16xf32>
      %swap3A_196 = vector.shape_cast %broadcast_in_dim3A_3 : vector<16xf32> to vector<1x16xf32>
      tpu.vector_store %arg9[%swap3A_192, %swap3A_193], %swap3A_196 {strides = array<i32>} : memref<125x128xf32, #tpu.memory_space<vmem>>, vector<1x16xf32>,
      %swap3A_197 = arith.index_cast %add3A_177 : i32 to index
      %swap3A_198 = arith.constant 64 : index
      %swap3A_199 = tpu.vector_load %arg9[%swap3A_197, %swap3A_198] {strides = array<i32>} : memref<125x128xf32, #tpu.memory_space<vmem>>, vector<1x16xf32>,
      %swap3A_200 = vector.shape_cast %swap3A_199 : vector<1x16xf32> to vector<16xf32>
      %swap3A_201 = vector.shape_cast %broadcast_in_dim3A_3 : vector<16xf32> to vector<1x16xf32>
      tpu.vector_store %arg9[%swap3A_197, %swap3A_198], %swap3A_201 {strides = array<i32>} : memref<125x128xf32, #tpu.memory_space<vmem>>, vector<1x16xf32>,
      %swap3A_202 = arith.index_cast %add3A_177 : i32 to index
      %swap3A_203 = arith.constant 80 : index
      %swap3A_204 = tpu.vector_load %arg9[%swap3A_202, %swap3A_203] {strides = array<i32>} : memref<125x128xf32, #tpu.memory_space<vmem>>, vector<1x16xf32>,
      %swap3A_205 = vector.shape_cast %swap3A_204 : vector<1x16xf32> to vector<16xf32>
      %swap3A_206 = vector.shape_cast %broadcast_in_dim3A_3 : vector<16xf32> to vector<1x16xf32>
      tpu.vector_store %arg9[%swap3A_202, %swap3A_203], %swap3A_206 {strides = array<i32>} : memref<125x128xf32, #tpu.memory_space<vmem>>, vector<1x16xf32>,
      %swap3A_207 = arith.index_cast %add3A_177 : i32 to index
      %swap3A_208 = arith.constant 96 : index
      %swap3A_209 = tpu.vector_load %arg9[%swap3A_207, %swap3A_208] {strides = array<i32>} : memref<125x128xf32, #tpu.memory_space<vmem>>, vector<1x16xf32>,
      %swap3A_210 = vector.shape_cast %swap3A_209 : vector<1x16xf32> to vector<16xf32>
      %swap3A_211 = vector.shape_cast %broadcast_in_dim3A_3 : vector<16xf32> to vector<1x16xf32>
      tpu.vector_store %arg9[%swap3A_207, %swap3A_208], %swap3A_211 {strides = array<i32>} : memref<125x128xf32, #tpu.memory_space<vmem>>, vector<1x16xf32>,
      %swap3A_212 = arith.index_cast %add3A_177 : i32 to index
      %swap3A_213 = arith.constant 112 : index
      %swap3A_214 = tpu.vector_load %arg9[%swap3A_212, %swap3A_213] {strides = array<i32>} : memref<125x128xf32, #tpu.memory_space<vmem>>, vector<1x16xf32>,
      %swap3A_215 = vector.shape_cast %swap3A_214 : vector<1x16xf32> to vector<16xf32>
      %swap3A_216 = vector.shape_cast %broadcast_in_dim3A_3 : vector<16xf32> to vector<1x16xf32>
      tpu.vector_store %arg9[%swap3A_212, %swap3A_213], %swap3A_216 {strides = array<i32>} : memref<125x128xf32, #tpu.memory_space<vmem>>, vector<1x16xf32>,
    }
    %scan3A_7 = arith.constant 125 : i32
    %mul3A_8 = arith.constant 640 : i32
    %mul3A_9 = arith.muli %arg1, %mul3A_8 : i32
    %add3A_10 = arith.constant 0 : i32
    %add3A_11 = arith.addi %mul3A_9, %add3A_10 : i32
    %dma_start3A = arith.constant 0 : i32
    %dma_start3A_12 = tpu.memref_slice %arg10[%add3A_11, %dma_start3A] : memref<10240x128xf32, #tpu.memory_space<vmem_shared>> -> memref<125x128xf32, #tpu.memory_space<vmem_shared>>
    %dma_start3A_13 = arith.constant 0 : i32
    %dma_start3A_14 = tpu.memref_slice %arg10[%add3A_11, %dma_start3A_13] : memref<10240x128xf32, #tpu.memory_space<vmem_shared>> -> memref<125x128xf32, #tpu.memory_space<vmem_shared>>
    tpu.enqueue_dma source(%arg9 : memref<125x128xf32, #tpu.memory_space<vmem>>) target(%dma_start3A_14 : memref<125x128xf32, #tpu.memory_space<vmem_shared>>) target_semaphore(%arg15 : memref<!tpu.dma_semaphore, #tpu.memory_space<semaphore_mem>>)
    %mul3A_15 = arith.constant 640 : i32
    %mul3A_16 = arith.muli %arg1, %mul3A_15 : i32
    %add3A_17 = arith.constant 125 : i32
    %add3A_18 = arith.addi %mul3A_16, %add3A_17 : i32
    %dma_start3A_19 = arith.constant 0 : i32
    %dma_start3A_20 = tpu.memref_slice %arg10[%add3A_18, %dma_start3A_19] : memref<10240x128xf32, #tpu.memory_space<vmem_shared>> -> memref<125x128xf32, #tpu.memory_space<vmem_shared>>
    %dma_start3A_21 = arith.constant 0 : i32
    %dma_start3A_22 = tpu.memref_slice %arg10[%add3A_18, %dma_start3A_21] : memref<10240x128xf32, #tpu.memory_space<vmem_shared>> -> memref<125x128xf32, #tpu.memory_space<vmem_shared>>
    tpu.enqueue_dma source(%arg9 : memref<125x128xf32, #tpu.memory_space<vmem>>) target(%dma_start3A_22 : memref<125x128xf32, #tpu.memory_space<vmem_shared>>) target_semaphore(%arg15 : memref<!tpu.dma_semaphore, #tpu.memory_space<semaphore_mem>>)
    %mul3A_23 = arith.constant 640 : i32
    %mul3A_24 = arith.muli %arg1, %mul3A_23 : i32
    %add3A_25 = arith.constant 250 : i32
    %add3A_26 = arith.addi %mul3A_24, %add3A_25 : i32
    %dma_start3A_27 = arith.constant 0 : i32
    %dma_start3A_28 = tpu.memref_slice %arg10[%add3A_26, %dma_start3A_27] : memref<10240x128xf32, #tpu.memory_space<vmem_shared>> -> memref<125x128xf32, #tpu.memory_space<vmem_shared>>
    %dma_start3A_29 = arith.constant 0 : i32
    %dma_start3A_30 = tpu.memref_slice %arg10[%add3A_26, %dma_start3A_29] : memref<10240x128xf32, #tpu.memory_space<vmem_shared>> -> memref<125x128xf32, #tpu.memory_space<vmem_shared>>
    tpu.enqueue_dma source(%arg9 : memref<125x128xf32, #tpu.memory_space<vmem>>) target(%dma_start3A_30 : memref<125x128xf32, #tpu.memory_space<vmem_shared>>) target_semaphore(%arg15 : memref<!tpu.dma_semaphore, #tpu.memory_space<semaphore_mem>>)
    %mul3A_31 = arith.constant 640 : i32
    %mul3A_32 = arith.muli %arg1, %mul3A_31 : i32
    %add3A_33 = arith.constant 375 : i32
    %add3A_34 = arith.addi %mul3A_32, %add3A_33 : i32
    %dma_start3A_35 = arith.constant 0 : i32
    %dma_start3A_36 = tpu.memref_slice %arg10[%add3A_34, %dma_start3A_35] : memref<10240x128xf32, #tpu.memory_space<vmem_shared>> -> memref<125x128xf32, #tpu.memory_space<vmem_shared>>
    %dma_start3A_37 = arith.constant 0 : i32
    %dma_start3A_38 = tpu.memref_slice %arg10[%add3A_34, %dma_start3A_37] : memref<10240x128xf32, #tpu.memory_space<vmem_shared>> -> memref<125x128xf32, #tpu.memory_space<vmem_shared>>
    tpu.enqueue_dma source(%arg9 : memref<125x128xf32, #tpu.memory_space<vmem>>) target(%dma_start3A_38 : memref<125x128xf32, #tpu.memory_space<vmem_shared>>) target_semaphore(%arg15 : memref<!tpu.dma_semaphore, #tpu.memory_space<semaphore_mem>>)
    %mul3A_39 = arith.constant 640 : i32
    %mul3A_40 = arith.muli %arg1, %mul3A_39 : i32
    %add3A_41 = arith.constant 500 : i32
    %add3A_42 = arith.addi %mul3A_40, %add3A_41 : i32
    %dma_start3A_43 = arith.constant 0 : i32
    %dma_start3A_44 = tpu.memref_slice %arg10[%add3A_42, %dma_start3A_43] : memref<10240x128xf32, #tpu.memory_space<vmem_shared>> -> memref<125x128xf32, #tpu.memory_space<vmem_shared>>
    %dma_start3A_45 = arith.constant 0 : i32
    %dma_start3A_46 = tpu.memref_slice %arg10[%add3A_42, %dma_start3A_45] : memref<10240x128xf32, #tpu.memory_space<vmem_shared>> -> memref<125x128xf32, #tpu.memory_space<vmem_shared>>
    tpu.enqueue_dma source(%arg9 : memref<125x128xf32, #tpu.memory_space<vmem>>) target(%dma_start3A_46 : memref<125x128xf32, #tpu.memory_space<vmem_shared>>) target_semaphore(%arg15 : memref<!tpu.dma_semaphore, #tpu.memory_space<semaphore_mem>>)
    %mul3A_47 = arith.constant 640 : i32
    %mul3A_48 = arith.muli %arg1, %mul3A_47 : i32
    %add3A_49 = arith.constant 625 : i32
    %add3A_50 = arith.addi %mul3A_48, %add3A_49 : i32
    %dma_start3A_51 = arith.constant 0 : i32
    %dma_start3A_52 = arith.constant 0 : i32
    %dma_start3A_53 = tpu.memref_slice %arg9[%dma_start3A_51, %dma_start3A_52] : memref<125x128xf32, #tpu.memory_space<vmem>> -> memref<15x128xf32, #tpu.memory_space<vmem>>
    %dma_start3A_54 = arith.constant 0 : i32
    %dma_start3A_55 = tpu.memref_slice %arg10[%add3A_50, %dma_start3A_54] : memref<10240x128xf32, #tpu.memory_space<vmem_shared>> -> memref<15x128xf32, #tpu.memory_space<vmem_shared>>
    %dma_start3A_56 = arith.constant 0 : i32
    %dma_start3A_57 = tpu.memref_slice %arg10[%add3A_50, %dma_start3A_56] : memref<10240x128xf32, #tpu.memory_space<vmem_shared>> -> memref<15x128xf32, #tpu.memory_space<vmem_shared>>
    %dma_start3A_58 = arith.constant 0 : i32
    %dma_start3A_59 = arith.constant 0 : i32
    %dma_start3A_60 = tpu.memref_slice %arg9[%dma_start3A_58, %dma_start3A_59] : memref<125x128xf32, #tpu.memory_space<vmem>> -> memref<15x128xf32, #tpu.memory_space<vmem>>
    tpu.enqueue_dma source(%dma_start3A_60 : memref<15x128xf32, #tpu.memory_space<vmem>>) target(%dma_start3A_57 : memref<15x128xf32, #tpu.memory_space<vmem_shared>>) target_semaphore(%arg15 : memref<!tpu.dma_semaphore, #tpu.memory_space<semaphore_mem>>)
    %dma_start3A_61 = arith.constant 0 : i32
    %dma_start3A_62 = arith.constant 0 : i32
    %dma_start3A_63 = arith.constant 0 : i32
    %dma_start3A_64 = tpu.memref_slice %arg7[%dma_start3A_61, %dma_start3A_62, %dma_start3A_63] : memref<2x1x125xi32, #tpu.memory_space<vmem>> -> memref<1x1x125xi32, #tpu.memory_space<vmem>>
    %dma_start3A_65 = arith.constant 0 : i32
    %dma_start3A_66 = arith.constant 0 : i32
    %dma_start3A_67 = tpu.memref_slice %arg4[%mul3A_2, %dma_start3A_65, %dma_start3A_66] : memref<2560x1x125xi32, #tpu.memory_space<hbm>> -> memref<1x1x125xi32, #tpu.memory_space<hbm>>
    %dma_start3A_68 = arith.constant 0 : i32
    %dma_start3A_69 = arith.constant 0 : i32
    %dma_start3A_70 = arith.constant 0 : i32
    %dma_start3A_71 = tpu.memref_slice %arg7[%dma_start3A_68, %dma_start3A_69, %dma_start3A_70] : memref<2x1x125xi32, #tpu.memory_space<vmem>> -> memref<1x1x125xi32, #tpu.memory_space<vmem>>
    %dma_start3A_72 = arith.constant 0 : i32
    %dma_start3A_73 = arith.constant 0 : i32
    %dma_start3A_74 = tpu.memref_slice %arg4[%mul3A_2, %dma_start3A_72, %dma_start3A_73] : memref<2560x1x125xi32, #tpu.memory_space<hbm>> -> memref<1x1x125xi32, #tpu.memory_space<hbm>>
    tpu.enqueue_dma source(%dma_start3A_74 : memref<1x1x125xi32, #tpu.memory_space<hbm>>) target(%dma_start3A_71 : memref<1x1x125xi32, #tpu.memory_space<vmem>>) target_semaphore(%arg13 : memref<!tpu.dma_semaphore, #tpu.memory_space<semaphore_mem>>)
    %add3A_75 = arith.constant 1 : i32
    %add3A_76 = arith.addi %mul3A_2, %add3A_75 : i32
    %dma_start3A_77 = arith.constant 1 : i32
    %dma_start3A_78 = arith.constant 0 : i32
    %dma_start3A_79 = arith.constant 0 : i32
    %dma_start3A_80 = tpu.memref_slice %arg7[%dma_start3A_77, %dma_start3A_78, %dma_start3A_79] : memref<2x1x125xi32, #tpu.memory_space<vmem>> -> memref<1x1x125xi32, #tpu.memory_space<vmem>>
    %dma_start3A_81 = arith.constant 0 : i32
    %dma_start3A_82 = arith.constant 0 : i32
    %dma_start3A_83 = tpu.memref_slice %arg4[%add3A_76, %dma_start3A_81, %dma_start3A_82] : memref<2560x1x125xi32, #tpu.memory_space<hbm>> -> memref<1x1x125xi32, #tpu.memory_space<hbm>>
    %dma_start3A_84 = arith.constant 1 : i32
    %dma_start3A_85 = arith.constant 0 : i32
    %dma_start3A_86 = arith.constant 0 : i32
    %dma_start3A_87 = tpu.memref_slice %arg7[%dma_start3A_84, %dma_start3A_85, %dma_start3A_86] : memref<2x1x125xi32, #tpu.memory_space<vmem>> -> memref<1x1x125xi32, #tpu.memory_space<vmem>>
    %dma_start3A_88 = arith.constant 0 : i32
    %dma_start3A_89 = arith.constant 0 : i32
    %dma_start3A_90 = tpu.memref_slice %arg4[%add3A_76, %dma_start3A_88, %dma_start3A_89] : memref<2560x1x125xi32, #tpu.memory_space<hbm>> -> memref<1x1x125xi32, #tpu.memory_space<hbm>>
    tpu.enqueue_dma source(%dma_start3A_90 : memref<1x1x125xi32, #tpu.memory_space<hbm>>) target(%dma_start3A_87 : memref<1x1x125xi32, #tpu.memory_space<vmem>>) target_semaphore(%arg14 : memref<!tpu.dma_semaphore, #tpu.memory_space<semaphore_mem>>)
    %dma_start3A_91 = arith.constant 0 : i32
    %dma_start3A_92 = arith.constant 0 : i32
    %dma_start3A_93 = arith.constant 0 : i32
    %dma_start3A_94 = tpu.memref_slice %arg6[%dma_start3A_91, %dma_start3A_92, %dma_start3A_93] : memref<80x1x125xi32, #tpu.memory_space<vmem>> -> memref<1x1x125xi32, #tpu.memory_space<vmem>>
    %dma_start3A_95 = tpu.memref_squeeze %dma_start3A_94 : memref<1x1x125xi32, #tpu.memory_space<vmem>> -> memref<125xi32, #tpu.memory_space<vmem>>
    %dma_start3A_96 = arith.constant 0 : i32
    %dma_start3A_97 = arith.constant 0 : i32
    %dma_start3A_98 = tpu.memref_slice %arg2[%dma_start3A_96, %dma_start3A_97] : memref<10000x128xf32, #tpu.memory_space<hbm>> -> memref<10000x128xf32, #tpu.memory_space<hbm>>
    tpu.enqueue_indirect_dma source(%dma_start3A_98 : memref<10000x128xf32, #tpu.memory_space<hbm>>) target(%arg8 : memref<125x128xf32, #tpu.memory_space<vmem>>) offsets(%dma_start3A_95 : memref<125xi32, #tpu.memory_space<vmem>>) semaphore(%arg11 : memref<!tpu.dma_semaphore, #tpu.memory_space<semaphore_mem>>)
    %mul3A_99 = arith.constant 640 : i32
    %mul3A_100 = arith.muli %arg1, %mul3A_99 : i32
    %add3A_101 = arith.constant 0 : i32
    %add3A_102 = arith.addi %mul3A_100, %add3A_101 : i32
    %dma_wait3A = arith.constant 0 : i32
    %dma_wait3A_103 = tpu.memref_slice %arg10[%add3A_102, %dma_wait3A] : memref<10240x128xf32, #tpu.memory_space<vmem_shared>> -> memref<125x128xf32, #tpu.memory_space<vmem_shared>>
    %dma_wait3A_104 = arith.constant 0 : i32
    %dma_wait3A_105 = tpu.memref_slice %arg10[%add3A_102, %dma_wait3A_104] : memref<10240x128xf32, #tpu.memory_space<vmem_shared>> -> memref<125x128xf32, #tpu.memory_space<vmem_shared>>
    tpu.wait_dma2 semaphore(%arg15 : memref<!tpu.dma_semaphore, #tpu.memory_space<semaphore_mem>>) src(%arg9 : memref<125x128xf32, #tpu.memory_space<vmem>>) dst(%dma_wait3A_105 : memref<125x128xf32, #tpu.memory_space<vmem_shared>>)
    %mul3A_106 = arith.constant 640 : i32
    %mul3A_107 = arith.muli %arg1, %mul3A_106 : i32
    %add3A_108 = arith.constant 125 : i32
    %add3A_109 = arith.addi %mul3A_107, %add3A_108 : i32
    %dma_wait3A_110 = arith.constant 0 : i32
    %dma_wait3A_111 = tpu.memref_slice %arg10[%add3A_109, %dma_wait3A_110] : memref<10240x128xf32, #tpu.memory_space<vmem_shared>> -> memref<125x128xf32, #tpu.memory_space<vmem_shared>>
    %dma_wait3A_112 = arith.constant 0 : i32
    %dma_wait3A_113 = tpu.memref_slice %arg10[%add3A_109, %dma_wait3A_112] : memref<10240x128xf32, #tpu.memory_space<vmem_shared>> -> memref<125x128xf32, #tpu.memory_space<vmem_shared>>
    tpu.wait_dma2 semaphore(%arg15 : memref<!tpu.dma_semaphore, #tpu.memory_space<semaphore_mem>>) src(%arg9 : memref<125x128xf32, #tpu.memory_space<vmem>>) dst(%dma_wait3A_113 : memref<125x128xf32, #tpu.memory_space<vmem_shared>>)
    %mul3A_114 = arith.constant 640 : i32
    %mul3A_115 = arith.muli %arg1, %mul3A_114 : i32
    %add3A_116 = arith.constant 250 : i32
    %add3A_117 = arith.addi %mul3A_115, %add3A_116 : i32
    %dma_wait3A_118 = arith.constant 0 : i32
    %dma_wait3A_119 = tpu.memref_slice %arg10[%add3A_117, %dma_wait3A_118] : memref<10240x128xf32, #tpu.memory_space<vmem_shared>> -> memref<125x128xf32, #tpu.memory_space<vmem_shared>>
    %dma_wait3A_120 = arith.constant 0 : i32
    %dma_wait3A_121 = tpu.memref_slice %arg10[%add3A_117, %dma_wait3A_120] : memref<10240x128xf32, #tpu.memory_space<vmem_shared>> -> memref<125x128xf32, #tpu.memory_space<vmem_shared>>
    tpu.wait_dma2 semaphore(%arg15 : memref<!tpu.dma_semaphore, #tpu.memory_space<semaphore_mem>>) src(%arg9 : memref<125x128xf32, #tpu.memory_space<vmem>>) dst(%dma_wait3A_121 : memref<125x128xf32, #tpu.memory_space<vmem_shared>>)
    %mul3A_122 = arith.constant 640 : i32
    %mul3A_123 = arith.muli %arg1, %mul3A_122 : i32
    %add3A_124 = arith.constant 375 : i32
    %add3A_125 = arith.addi %mul3A_123, %add3A_124 : i32
    %dma_wait3A_126 = arith.constant 0 : i32
    %dma_wait3A_127 = tpu.memref_slice %arg10[%add3A_125, %dma_wait3A_126] : memref<10240x128xf32, #tpu.memory_space<vmem_shared>> -> memref<125x128xf32, #tpu.memory_space<vmem_shared>>
    %dma_wait3A_128 = arith.constant 0 : i32
    %dma_wait3A_129 = tpu.memref_slice %arg10[%add3A_125, %dma_wait3A_128] : memref<10240x128xf32, #tpu.memory_space<vmem_shared>> -> memref<125x128xf32, #tpu.memory_space<vmem_shared>>
    tpu.wait_dma2 semaphore(%arg15 : memref<!tpu.dma_semaphore, #tpu.memory_space<semaphore_mem>>) src(%arg9 : memref<125x128xf32, #tpu.memory_space<vmem>>) dst(%dma_wait3A_129 : memref<125x128xf32, #tpu.memory_space<vmem_shared>>)
    %mul3A_130 = arith.constant 640 : i32
    %mul3A_131 = arith.muli %arg1, %mul3A_130 : i32
    %add3A_132 = arith.constant 500 : i32
    %add3A_133 = arith.addi %mul3A_131, %add3A_132 : i32
    %dma_wait3A_134 = arith.constant 0 : i32
    %dma_wait3A_135 = tpu.memref_slice %arg10[%add3A_133, %dma_wait3A_134] : memref<10240x128xf32, #tpu.memory_space<vmem_shared>> -> memref<125x128xf32, #tpu.memory_space<vmem_shared>>
    %dma_wait3A_136 = arith.constant 0 : i32
    %dma_wait3A_137 = tpu.memref_slice %arg10[%add3A_133, %dma_wait3A_136] : memref<10240x128xf32, #tpu.memory_space<vmem_shared>> -> memref<125x128xf32, #tpu.memory_space<vmem_shared>>
    tpu.wait_dma2 semaphore(%arg15 : memref<!tpu.dma_semaphore, #tpu.memory_space<semaphore_mem>>) src(%arg9 : memref<125x128xf32, #tpu.memory_space<vmem>>) dst(%dma_wait3A_137 : memref<125x128xf32, #tpu.memory_space<vmem_shared>>)
    %mul3A_138 = arith.constant 640 : i32
    %mul3A_139 = arith.muli %arg1, %mul3A_138 : i32
    %add3A_140 = arith.constant 625 : i32
    %add3A_141 = arith.addi %mul3A_139, %add3A_140 : i32
    %dma_wait3A_142 = arith.constant 0 : i32
    %dma_wait3A_143 = arith.constant 0 : i32
    %dma_wait3A_144 = tpu.memref_slice %arg9[%dma_wait3A_142, %dma_wait3A_143] : memref<125x128xf32, #tpu.memory_space<vmem>> -> memref<15x128xf32, #tpu.memory_space<vmem>>
    %dma_wait3A_145 = arith.constant 0 : i32
    %dma_wait3A_146 = tpu.memref_slice %arg10[%add3A_141, %dma_wait3A_145] : memref<10240x128xf32, #tpu.memory_space<vmem_shared>> -> memref<15x128xf32, #tpu.memory_space<vmem_shared>>
    %dma_wait3A_147 = arith.constant 0 : i32
    %dma_wait3A_148 = tpu.memref_slice %arg10[%add3A_141, %dma_wait3A_147] : memref<10240x128xf32, #tpu.memory_space<vmem_shared>> -> memref<15x128xf32, #tpu.memory_space<vmem_shared>>
    %dma_wait3A_149 = arith.constant 0 : i32
    %dma_wait3A_150 = arith.constant 0 : i32
    %dma_wait3A_151 = tpu.memref_slice %arg9[%dma_wait3A_149, %dma_wait3A_150] : memref<125x128xf32, #tpu.memory_space<vmem>> -> memref<15x128xf32, #tpu.memory_space<vmem>>
    tpu.wait_dma2 semaphore(%arg15 : memref<!tpu.dma_semaphore, #tpu.memory_space<semaphore_mem>>) src(%dma_wait3A_151 : memref<15x128xf32, #tpu.memory_space<vmem>>) dst(%dma_wait3A_148 : memref<15x128xf32, #tpu.memory_space<vmem_shared>>)
    %dma_start3A_152 = arith.constant 1 : i32
    %dma_start3A_153 = arith.constant 0 : i32
    %dma_start3A_154 = arith.constant 0 : i32
    %dma_start3A_155 = tpu.memref_slice %arg6[%dma_start3A_152, %dma_start3A_153, %dma_start3A_154] : memref<80x1x125xi32, #tpu.memory_space<vmem>> -> memref<1x1x125xi32, #tpu.memory_space<vmem>>
    %dma_start3A_156 = tpu.memref_squeeze %dma_start3A_155 : memref<1x1x125xi32, #tpu.memory_space<vmem>> -> memref<125xi32, #tpu.memory_space<vmem>>
    %dma_start3A_157 = arith.constant 0 : i32
    %dma_start3A_158 = arith.constant 0 : i32
    %dma_start3A_159 = tpu.memref_slice %arg2[%dma_start3A_157, %dma_start3A_158] : memref<10000x128xf32, #tpu.memory_space<hbm>> -> memref<10000x128xf32, #tpu.memory_space<hbm>>
    tpu.enqueue_indirect_dma source(%dma_start3A_159 : memref<10000x128xf32, #tpu.memory_space<hbm>>) target(%arg9 : memref<125x128xf32, #tpu.memory_space<vmem>>) offsets(%dma_start3A_156 : memref<125xi32, #tpu.memory_space<vmem>>) semaphore(%arg12 : memref<!tpu.dma_semaphore, #tpu.memory_space<semaphore_mem>>)
    %barrier3A = arith.constant 0 : index
    tpu.barrier barrier_id(%barrier3A)
    %scan3A_160 = arith.constant 0 : i32
    %scan3A_161 = arith.constant 40 : i32
    %scan3A_162 = arith.addi %scan3A_160, %scan3A_161 : i32
    %scan3A_163 = arith.constant 1 : i32
    scf.for %scan3A_173 = %scan3A_160 to %scan3A_162 step %scan3A_163  : i32 {
      %mul3A_174 = arith.constant 1 : i32
      %mul3A_175 = arith.muli %scan3A_173, %mul3A_174 : i32
      %add3A_176 = arith.constant 0 : i32
      %add3A_177 = arith.addi %add3A_176, %mul3A_175 : i32
      %mul3A_178 = arith.constant 2 : i32
      %mul3A_179 = arith.muli %mul3A_178, %add3A_177 : i32
      %dma_wait3A_180 = arith.constant 0 : i32
      %dma_wait3A_181 = arith.constant 0 : i32
      %dma_wait3A_182 = tpu.memref_slice %arg6[%mul3A_179, %dma_wait3A_180, %dma_wait3A_181] : memref<80x1x125xi32, #tpu.memory_space<vmem>> -> memref<1x1x125xi32, #tpu.memory_space<vmem>>
      %dma_wait3A_183 = tpu.memref_squeeze %dma_wait3A_182 : memref<1x1x125xi32, #tpu.memory_space<vmem>> -> memref<125xi32, #tpu.memory_space<vmem>>
      %dma_wait3A_184 = arith.constant 0 : i32
      %dma_wait3A_185 = arith.constant 0 : i32
      %dma_wait3A_186 = tpu.memref_slice %arg2[%dma_wait3A_184, %dma_wait3A_185] : memref<10000x128xf32, #tpu.memory_space<hbm>> -> memref<10000x128xf32, #tpu.memory_space<hbm>>
      tpu.wait_indirect_dma semaphore(%arg11 : memref<!tpu.dma_semaphore, #tpu.memory_space<semaphore_mem>>) src(%dma_wait3A_186 : memref<10000x128xf32, #tpu.memory_space<hbm>>) dst(%arg8 : memref<125x128xf32, #tpu.memory_space<vmem>>)
      %dma_wait3A_187 = arith.constant 0 : i32
      %dma_wait3A_188 = arith.constant 0 : i32
      %dma_wait3A_189 = arith.constant 0 : i32
      %dma_wait3A_190 = tpu.memref_slice %arg7[%dma_wait3A_187, %dma_wait3A_188, %dma_wait3A_189] : memref<2x1x125xi32, #tpu.memory_space<vmem>> -> memref<1x1x125xi32, #tpu.memory_space<vmem>>
      %dma_wait3A_191 = arith.constant 0 : i32
      %dma_wait3A_192 = arith.constant 0 : i32
      %dma_wait3A_193 = tpu.memref_slice %arg4[%mul3A_2, %dma_wait3A_191, %dma_wait3A_192] : memref<2560x1x125xi32, #tpu.memory_space<hbm>> -> memref<1x1x125xi32, #tpu.memory_space<hbm>>
      %dma_wait3A_194 = arith.constant 0 : i32
      %dma_wait3A_195 = arith.constant 0 : i32
      %dma_wait3A_196 = arith.constant 0 : i32
      %dma_wait3A_197 = tpu.memref_slice %arg7[%dma_wait3A_194, %dma_wait3A_195, %dma_wait3A_196] : memref<2x1x125xi32, #tpu.memory_space<vmem>> -> memref<1x1x125xi32, #tpu.memory_space<vmem>>
      %dma_wait3A_198 = arith.constant 0 : i32
      %dma_wait3A_199 = arith.constant 0 : i32
      %dma_wait3A_200 = tpu.memref_slice %arg4[%mul3A_2, %dma_wait3A_198, %dma_wait3A_199] : memref<2560x1x125xi32, #tpu.memory_space<hbm>> -> memref<1x1x125xi32, #tpu.memory_space<hbm>>
      tpu.wait_dma2 semaphore(%arg13 : memref<!tpu.dma_semaphore, #tpu.memory_space<semaphore_mem>>) src(%dma_wait3A_200 : memref<1x1x125xi32, #tpu.memory_space<hbm>>) dst(%dma_wait3A_197 : memref<1x1x125xi32, #tpu.memory_space<vmem>>)
      %run_scoped3A = arith.constant 0 : i32
      %run_scoped3A_201 = arith.constant 0 : i32
      "tpu.region"() ({
        %run_scoped3A_234 = tpu.sem_alloc : memref<!tpu.dma_semaphore, #tpu.memory_space<semaphore_mem>>
        %dma_start3A_235 = arith.constant 0 : i32
        %dma_start3A_236 = tpu.memref_slice %arg7[%run_scoped3A, %run_scoped3A_201, %dma_start3A_235] : memref<2x1x125xi32, #tpu.memory_space<vmem>> -> memref<1x1x125xi32, #tpu.memory_space<vmem>>
        %dma_start3A_237 = tpu.memref_squeeze %dma_start3A_236 : memref<1x1x125xi32, #tpu.memory_space<vmem>> -> memref<125xi32, #tpu.memory_space<vmem>>
        %dma_start3A_238 = arith.constant 0 : i32
        %dma_start3A_239 = arith.constant 0 : i32
        %dma_start3A_240 = tpu.memref_slice %arg10[%dma_start3A_238, %dma_start3A_239] : memref<10240x128xf32, #tpu.memory_space<vmem_shared>> -> memref<10240x128xf32, #tpu.memory_space<vmem_shared>>
        tpu.enqueue_indirect_dma source(%arg8 : memref<125x128xf32, #tpu.memory_space<vmem>>) target(%dma_start3A_240 : memref<10240x128xf32, #tpu.memory_space<vmem_shared>>) offsets(%dma_start3A_237 : memref<125xi32, #tpu.memory_space<vmem>>) semaphore(%run_scoped3A_234 : memref<!tpu.dma_semaphore, #tpu.memory_space<semaphore_mem>>) {add = true}
        %dma_wait3A_241 = arith.constant 0 : i32
        %dma_wait3A_242 = tpu.memref_slice %arg7[%run_scoped3A, %run_scoped3A_201, %dma_wait3A_241] : memref<2x1x125xi32, #tpu.memory_space<vmem>> -> memref<1x1x125xi32, #tpu.memory_space<vmem>>
        %dma_wait3A_243 = tpu.memref_squeeze %dma_wait3A_242 : memref<1x1x125xi32, #tpu.memory_space<vmem>> -> memref<125xi32, #tpu.memory_space<vmem>>
        %dma_wait3A_244 = arith.constant 0 : i32
        %dma_wait3A_245 = arith.constant 0 : i32
        %dma_wait3A_246 = tpu.memref_slice %arg10[%dma_wait3A_244, %dma_wait3A_245] : memref<10240x128xf32, #tpu.memory_space<vmem_shared>> -> memref<10240x128xf32, #tpu.memory_space<vmem_shared>>
        tpu.wait_indirect_dma semaphore(%run_scoped3A_234 : memref<!tpu.dma_semaphore, #tpu.memory_space<semaphore_mem>>) src(%arg8 : memref<125x128xf32, #tpu.memory_space<vmem>>) dst(%dma_wait3A_246 : memref<10240x128xf32, #tpu.memory_space<vmem_shared>>)
        tpu.yield
      }) : () -> ()
      %lt3A = arith.constant 39 : i32
      %lt3A_202 = arith.cmpi slt, %add3A_177, %lt3A : i32
      %convert_element_type3A = arith.extui %lt3A_202 : i1 to i32
      %cond3A = arith.constant 0 : i32
      %cond3A_203 = arith.cmpi ne, %convert_element_type3A, %cond3A : i32
      scf.if %cond3A_203 {
        %add3A_234 = arith.addi %mul3A_2, %mul3A_179 : i32
        %add3A_235 = arith.constant 2 : i32
        %add3A_236 = arith.addi %add3A_234, %add3A_235 : i32
        %dma_start3A_237 = arith.constant 0 : i32
        %dma_start3A_238 = arith.constant 0 : i32
        %dma_start3A_239 = arith.constant 0 : i32
        %dma_start3A_240 = tpu.memref_slice %arg7[%dma_start3A_237, %dma_start3A_238, %dma_start3A_239] : memref<2x1x125xi32, #tpu.memory_space<vmem>> -> memref<1x1x125xi32, #tpu.memory_space<vmem>>
        %dma_start3A_241 = arith.constant 0 : i32
        %dma_start3A_242 = arith.constant 0 : i32
        %dma_start3A_243 = tpu.memref_slice %arg4[%add3A_236, %dma_start3A_241, %dma_start3A_242] : memref<2560x1x125xi32, #tpu.memory_space<hbm>> -> memref<1x1x125xi32, #tpu.memory_space<hbm>>
        %dma_start3A_244 = arith.constant 0 : i32
        %dma_start3A_245 = arith.constant 0 : i32
        %dma_start3A_246 = arith.constant 0 : i32
        %dma_start3A_247 = tpu.memref_slice %arg7[%dma_start3A_244, %dma_start3A_245, %dma_start3A_246] : memref<2x1x125xi32, #tpu.memory_space<vmem>> -> memref<1x1x125xi32, #tpu.memory_space<vmem>>
        %dma_start3A_248 = arith.constant 0 : i32
        %dma_start3A_249 = arith.constant 0 : i32
        %dma_start3A_250 = tpu.memref_slice %arg4[%add3A_236, %dma_start3A_248, %dma_start3A_249] : memref<2560x1x125xi32, #tpu.memory_space<hbm>> -> memref<1x1x125xi32, #tpu.memory_space<hbm>>
        tpu.enqueue_dma source(%dma_start3A_250 : memref<1x1x125xi32, #tpu.memory_space<hbm>>) target(%dma_start3A_247 : memref<1x1x125xi32, #tpu.memory_space<vmem>>) target_semaphore(%arg13 : memref<!tpu.dma_semaphore, #tpu.memory_space<semaphore_mem>>)
        %add3A_251 = arith.constant 2 : i32
        %add3A_252 = arith.addi %mul3A_179, %add3A_251 : i32
        %dma_start3A_253 = arith.constant 0 : i32
        %dma_start3A_254 = arith.constant 0 : i32
        %dma_start3A_255 = tpu.memref_slice %arg6[%add3A_252, %dma_start3A_253, %dma_start3A_254] : memref<80x1x125xi32, #tpu.memory_space<vmem>> -> memref<1x1x125xi32, #tpu.memory_space<vmem>>
        %dma_start3A_256 = tpu.memref_squeeze %dma_start3A_255 : memref<1x1x125xi32, #tpu.memory_space<vmem>> -> memref<125xi32, #tpu.memory_space<vmem>>
        %dma_start3A_257 = arith.constant 0 : i32
        %dma_start3A_258 = arith.constant 0 : i32
        %dma_start3A_259 = tpu.memref_slice %arg2[%dma_start3A_257, %dma_start3A_258] : memref<10000x128xf32, #tpu.memory_space<hbm>> -> memref<10000x128xf32, #tpu.memory_space<hbm>>
        tpu.enqueue_indirect_dma source(%dma_start3A_259 : memref<10000x128xf32, #tpu.memory_space<hbm>>) target(%arg8 : memref<125x128xf32, #tpu.memory_space<vmem>>) offsets(%dma_start3A_256 : memref<125xi32, #tpu.memory_space<vmem>>) semaphore(%arg11 : memref<!tpu.dma_semaphore, #tpu.memory_space<semaphore_mem>>)
      } else {
      }
      %add3A_204 = arith.constant 1 : i32
      %add3A_205 = arith.addi %mul3A_179, %add3A_204 : i32
      %dma_wait3A_206 = arith.constant 0 : i32
      %dma_wait3A_207 = arith.constant 0 : i32
      %dma_wait3A_208 = tpu.memref_slice %arg6[%add3A_205, %dma_wait3A_206, %dma_wait3A_207] : memref<80x1x125xi32, #tpu.memory_space<vmem>> -> memref<1x1x125xi32, #tpu.memory_space<vmem>>
      %dma_wait3A_209 = tpu.memref_squeeze %dma_wait3A_208 : memref<1x1x125xi32, #tpu.memory_space<vmem>> -> memref<125xi32, #tpu.memory_space<vmem>>
      %dma_wait3A_210 = arith.constant 0 : i32
      %dma_wait3A_211 = arith.constant 0 : i32
      %dma_wait3A_212 = tpu.memref_slice %arg2[%dma_wait3A_210, %dma_wait3A_211] : memref<10000x128xf32, #tpu.memory_space<hbm>> -> memref<10000x128xf32, #tpu.memory_space<hbm>>
      tpu.wait_indirect_dma semaphore(%arg12 : memref<!tpu.dma_semaphore, #tpu.memory_space<semaphore_mem>>) src(%dma_wait3A_212 : memref<10000x128xf32, #tpu.memory_space<hbm>>) dst(%arg9 : memref<125x128xf32, #tpu.memory_space<vmem>>)
      %dma_wait3A_213 = arith.constant 1 : i32
      %dma_wait3A_214 = arith.constant 0 : i32
      %dma_wait3A_215 = arith.constant 0 : i32
      %dma_wait3A_216 = tpu.memref_slice %arg7[%dma_wait3A_213, %dma_wait3A_214, %dma_wait3A_215] : memref<2x1x125xi32, #tpu.memory_space<vmem>> -> memref<1x1x125xi32, #tpu.memory_space<vmem>>
      %dma_wait3A_217 = arith.constant 0 : i32
      %dma_wait3A_218 = arith.constant 0 : i32
      %dma_wait3A_219 = tpu.memref_slice %arg4[%mul3A_2, %dma_wait3A_217, %dma_wait3A_218] : memref<2560x1x125xi32, #tpu.memory_space<hbm>> -> memref<1x1x125xi32, #tpu.memory_space<hbm>>
      %dma_wait3A_220 = arith.constant 1 : i32
      %dma_wait3A_221 = arith.constant 0 : i32
      %dma_wait3A_222 = arith.constant 0 : i32
      %dma_wait3A_223 = tpu.memref_slice %arg7[%dma_wait3A_220, %dma_wait3A_221, %dma_wait3A_222] : memref<2x1x125xi32, #tpu.memory_space<vmem>> -> memref<1x1x125xi32, #tpu.memory_space<vmem>>
      %dma_wait3A_224 = arith.constant 0 : i32
      %dma_wait3A_225 = arith.constant 0 : i32
      %dma_wait3A_226 = tpu.memref_slice %arg4[%mul3A_2, %dma_wait3A_224, %dma_wait3A_225] : memref<2560x1x125xi32, #tpu.memory_space<hbm>> -> memref<1x1x125xi32, #tpu.memory_space<hbm>>
      tpu.wait_dma2 semaphore(%arg14 : memref<!tpu.dma_semaphore, #tpu.memory_space<semaphore_mem>>) src(%dma_wait3A_226 : memref<1x1x125xi32, #tpu.memory_space<hbm>>) dst(%dma_wait3A_223 : memref<1x1x125xi32, #tpu.memory_space<vmem>>)
      %run_scoped3A_227 = arith.constant 1 : i32
      %run_scoped3A_228 = arith.constant 0 : i32
      "tpu.region"() ({
        %run_scoped3A_234 = tpu.sem_alloc : memref<!tpu.dma_semaphore, #tpu.memory_space<semaphore_mem>>
        %dma_start3A_235 = arith.constant 0 : i32
        %dma_start3A_236 = tpu.memref_slice %arg7[%run_scoped3A_227, %run_scoped3A_228, %dma_start3A_235] : memref<2x1x125xi32, #tpu.memory_space<vmem>> -> memref<1x1x125xi32, #tpu.memory_space<vmem>>
        %dma_start3A_237 = tpu.memref_squeeze %dma_start3A_236 : memref<1x1x125xi32, #tpu.memory_space<vmem>> -> memref<125xi32, #tpu.memory_space<vmem>>
        %dma_start3A_238 = arith.constant 0 : i32
        %dma_start3A_239 = arith.constant 0 : i32
        %dma_start3A_240 = tpu.memref_slice %arg10[%dma_start3A_238, %dma_start3A_239] : memref<10240x128xf32, #tpu.memory_space<vmem_shared>> -> memref<10240x128xf32, #tpu.memory_space<vmem_shared>>
        tpu.enqueue_indirect_dma source(%arg9 : memref<125x128xf32, #tpu.memory_space<vmem>>) target(%dma_start3A_240 : memref<10240x128xf32, #tpu.memory_space<vmem_shared>>) offsets(%dma_start3A_237 : memref<125xi32, #tpu.memory_space<vmem>>) semaphore(%run_scoped3A_234 : memref<!tpu.dma_semaphore, #tpu.memory_space<semaphore_mem>>) {add = true}
        %dma_wait3A_241 = arith.constant 0 : i32
        %dma_wait3A_242 = tpu.memref_slice %arg7[%run_scoped3A_227, %run_scoped3A_228, %dma_wait3A_241] : memref<2x1x125xi32, #tpu.memory_space<vmem>> -> memref<1x1x125xi32, #tpu.memory_space<vmem>>
        %dma_wait3A_243 = tpu.memref_squeeze %dma_wait3A_242 : memref<1x1x125xi32, #tpu.memory_space<vmem>> -> memref<125xi32, #tpu.memory_space<vmem>>
        %dma_wait3A_244 = arith.constant 0 : i32
        %dma_wait3A_245 = arith.constant 0 : i32
        %dma_wait3A_246 = tpu.memref_slice %arg10[%dma_wait3A_244, %dma_wait3A_245] : memref<10240x128xf32, #tpu.memory_space<vmem_shared>> -> memref<10240x128xf32, #tpu.memory_space<vmem_shared>>
        tpu.wait_indirect_dma semaphore(%run_scoped3A_234 : memref<!tpu.dma_semaphore, #tpu.memory_space<semaphore_mem>>) src(%arg9 : memref<125x128xf32, #tpu.memory_space<vmem>>) dst(%dma_wait3A_246 : memref<10240x128xf32, #tpu.memory_space<vmem_shared>>)
        tpu.yield
      }) : () -> ()
      %lt3A_229 = arith.constant 39 : i32
      %lt3A_230 = arith.cmpi slt, %add3A_177, %lt3A_229 : i32
      %convert_element_type3A_231 = arith.extui %lt3A_230 : i1 to i32
      %cond3A_232 = arith.constant 0 : i32
      %cond3A_233 = arith.cmpi ne, %convert_element_type3A_231, %cond3A_232 : i32
      scf.if %cond3A_233 {
        %add3A_234 = arith.addi %mul3A_2, %mul3A_179 : i32
        %add3A_235 = arith.constant 3 : i32
        %add3A_236 = arith.addi %add3A_234, %add3A_235 : i32
        %dma_start3A_237 = arith.constant 1 : i32
        %dma_start3A_238 = arith.constant 0 : i32
        %dma_start3A_239 = arith.constant 0 : i32
        %dma_start3A_240 = tpu.memref_slice %arg7[%dma_start3A_237, %dma_start3A_238, %dma_start3A_239] : memref<2x1x125xi32, #tpu.memory_space<vmem>> -> memref<1x1x125xi32, #tpu.memory_space<vmem>>
        %dma_start3A_241 = arith.constant 0 : i32
        %dma_start3A_242 = arith.constant 0 : i32
        %dma_start3A_243 = tpu.memref_slice %arg4[%add3A_236, %dma_start3A_241, %dma_start3A_242] : memref<2560x1x125xi32, #tpu.memory_space<hbm>> -> memref<1x1x125xi32, #tpu.memory_space<hbm>>
        %dma_start3A_244 = arith.constant 1 : i32
        %dma_start3A_245 = arith.constant 0 : i32
        %dma_start3A_246 = arith.constant 0 : i32
        %dma_start3A_247 = tpu.memref_slice %arg7[%dma_start3A_244, %dma_start3A_245, %dma_start3A_246] : memref<2x1x125xi32, #tpu.memory_space<vmem>> -> memref<1x1x125xi32, #tpu.memory_space<vmem>>
        %dma_start3A_248 = arith.constant 0 : i32
        %dma_start3A_249 = arith.constant 0 : i32
        %dma_start3A_250 = tpu.memref_slice %arg4[%add3A_236, %dma_start3A_248, %dma_start3A_249] : memref<2560x1x125xi32, #tpu.memory_space<hbm>> -> memref<1x1x125xi32, #tpu.memory_space<hbm>>
        tpu.enqueue_dma source(%dma_start3A_250 : memref<1x1x125xi32, #tpu.memory_space<hbm>>) target(%dma_start3A_247 : memref<1x1x125xi32, #tpu.memory_space<vmem>>) target_semaphore(%arg14 : memref<!tpu.dma_semaphore, #tpu.memory_space<semaphore_mem>>)
        %add3A_251 = arith.constant 3 : i32
        %add3A_252 = arith.addi %mul3A_179, %add3A_251 : i32
        %dma_start3A_253 = arith.constant 0 : i32
        %dma_start3A_254 = arith.constant 0 : i32
        %dma_start3A_255 = tpu.memref_slice %arg6[%add3A_252, %dma_start3A_253, %dma_start3A_254] : memref<80x1x125xi32, #tpu.memory_space<vmem>> -> memref<1x1x125xi32, #tpu.memory_space<vmem>>
        %dma_start3A_256 = tpu.memref_squeeze %dma_start3A_255 : memref<1x1x125xi32, #tpu.memory_space<vmem>> -> memref<125xi32, #tpu.memory_space<vmem>>
        %dma_start3A_257 = arith.constant 0 : i32
        %dma_start3A_258 = arith.constant 0 : i32
        %dma_start3A_259 = tpu.memref_slice %arg2[%dma_start3A_257, %dma_start3A_258] : memref<10000x128xf32, #tpu.memory_space<hbm>> -> memref<10000x128xf32, #tpu.memory_space<hbm>>
        tpu.enqueue_indirect_dma source(%dma_start3A_259 : memref<10000x128xf32, #tpu.memory_space<hbm>>) target(%arg9 : memref<125x128xf32, #tpu.memory_space<vmem>>) offsets(%dma_start3A_256 : memref<125xi32, #tpu.memory_space<vmem>>) semaphore(%arg12 : memref<!tpu.dma_semaphore, #tpu.memory_space<semaphore_mem>>)
      } else {
      }
    }
    %scan3A_164 = arith.constant 40 : i32
    %barrier3A_165 = arith.constant 0 : index
    tpu.barrier barrier_id(%barrier3A_165)
    %mul3A_166 = arith.constant 640 : i32
    %mul3A_167 = arith.muli %arg1, %mul3A_166 : i32
    %mul3A_168 = arith.constant 10240 : i32
    %mul3A_169 = arith.muli %arg0, %mul3A_168 : i32
    %mul3A_170 = arith.constant 640 : i32
    %mul3A_171 = arith.muli %arg1, %mul3A_170 : i32
    %add3A_172 = arith.addi %mul3A_169, %mul3A_171 : i32
    "tpu.region"() ({
      %run_scoped3A = tpu.sem_alloc : memref<!tpu.dma_semaphore, #tpu.memory_space<semaphore_mem>>
      %dma_start3A_173 = arith.constant 0 : i32
      %dma_start3A_174 = tpu.memref_slice %arg5[%add3A_172, %dma_start3A_173] : memref<20480x128xf32, #tpu.memory_space<hbm>> -> memref<640x128xf32, #tpu.memory_space<hbm>>
      %dma_start3A_175 = arith.constant 0 : i32
      %dma_start3A_176 = tpu.memref_slice %arg10[%mul3A_167, %dma_start3A_175] : memref<10240x128xf32, #tpu.memory_space<vmem_shared>> -> memref<640x128xf32, #tpu.memory_space<vmem_shared>>
      tpu.enqueue_dma source(%dma_start3A_176 : memref<640x128xf32, #tpu.memory_space<vmem_shared>>) target(%dma_start3A_174 : memref<640x128xf32, #tpu.memory_space<hbm>>) target_semaphore(%run_scoped3A : memref<!tpu.dma_semaphore, #tpu.memory_space<semaphore_mem>>)
      %dma_wait3A_177 = arith.constant 0 : i32
      %dma_wait3A_178 = tpu.memref_slice %arg5[%add3A_172, %dma_wait3A_177] : memref<20480x128xf32, #tpu.memory_space<hbm>> -> memref<640x128xf32, #tpu.memory_space<hbm>>
      %dma_wait3A_179 = arith.constant 0 : i32
      %dma_wait3A_180 = tpu.memref_slice %arg10[%mul3A_167, %dma_wait3A_179] : memref<10240x128xf32, #tpu.memory_space<vmem_shared>> -> memref<640x128xf32, #tpu.memory_space<vmem_shared>>
      tpu.wait_dma2 semaphore(%run_scoped3A : memref<!tpu.dma_semaphore, #tpu.memory_space<semaphore_mem>>) src(%dma_wait3A_180 : memref<640x128xf32, #tpu.memory_space<vmem_shared>>) dst(%dma_wait3A_178 : memref<640x128xf32, #tpu.memory_space<hbm>>)
      tpu.yield
    }) : () -> ()
    return
  }
}

#map = affine_map<(d0, d1) -> (0, 0, 0)>
#map1 = affine_map<(d0, d1) -> (0, 0)>
module attributes {stable_mosaic.version = 14 : i64} {
  func.func @_deg_body(%arg0: i32, %arg1: i32, %arg2: memref<32x625x16xi32, #tpu.memory_space<hbm>>, %arg3: memref<160x128xf32, #tpu.memory_space<hbm>>, %arg4: memref<625x16xi32, #tpu.memory_space<vmem>>, %arg5: memref<80x128xf32, #tpu.memory_space<vmem>>, %arg6: memref<1x1x80xi32, #tpu.memory_space<vmem>>, %arg7: memref<80x128xf32, #tpu.memory_space<vmem_shared>>) attributes {dimension_semantics = [#tpu.dimension_semantics<core_parallel>, #tpu.dimension_semantics<subcore_parallel>], iteration_bounds = array<i64: 2, 16>, scalar_prefetch = 0 : i64, scratch_operands = 4 : i64, tpu.core_type = #tpu.core_type<sc_vector_subcore>, window_params = [{transform_indices = #map}, {transform_indices = #map1}]} {
    %mul3A = arith.constant 16 : i32
    %mul3A_0 = arith.muli %arg0, %mul3A : i32
    %add3A = arith.addi %mul3A_0, %arg1 : i32
    %scan3A = arith.constant 0 : i32
    %scan3A_1 = arith.constant 80 : i32
    %scan3A_2 = arith.addi %scan3A, %scan3A_1 : i32
    %scan3A_3 = arith.constant 1 : i32
    scf.for %scan3A_68 = %scan3A to %scan3A_2 step %scan3A_3  : i32 {
      %mul3A_69 = arith.constant 1 : i32
      %mul3A_70 = arith.muli %scan3A_68, %mul3A_69 : i32
      %add3A_71 = arith.constant 0 : i32
      %add3A_72 = arith.addi %add3A_71, %mul3A_70 : i32
      %broadcast_in_dim3A_73 = arith.constant 0.000000e+00 : f32
      %broadcast_in_dim3A_74 = vector.broadcast %broadcast_in_dim3A_73 : f32 to vector<16xf32>
      %swap3A_75 = arith.index_cast %add3A_72 : i32 to index
      %swap3A_76 = arith.constant 0 : index
      %swap3A_77 = tpu.vector_load %arg5[%swap3A_75, %swap3A_76] {strides = array<i32>} : memref<80x128xf32, #tpu.memory_space<vmem>>, vector<16xf32>,
      tpu.vector_store %arg5[%swap3A_75, %swap3A_76], %broadcast_in_dim3A_74 {strides = array<i32>} : memref<80x128xf32, #tpu.memory_space<vmem>>, vector<16xf32>,
      %broadcast_in_dim3A_78 = arith.constant 0.000000e+00 : f32
      %broadcast_in_dim3A_79 = vector.broadcast %broadcast_in_dim3A_78 : f32 to vector<16xf32>
      %swap3A_80 = arith.index_cast %add3A_72 : i32 to index
      %swap3A_81 = arith.constant 16 : index
      %swap3A_82 = tpu.vector_load %arg5[%swap3A_80, %swap3A_81] {strides = array<i32>} : memref<80x128xf32, #tpu.memory_space<vmem>>, vector<16xf32>,
      tpu.vector_store %arg5[%swap3A_80, %swap3A_81], %broadcast_in_dim3A_79 {strides = array<i32>} : memref<80x128xf32, #tpu.memory_space<vmem>>, vector<16xf32>,
      %broadcast_in_dim3A_83 = arith.constant 0.000000e+00 : f32
      %broadcast_in_dim3A_84 = vector.broadcast %broadcast_in_dim3A_83 : f32 to vector<16xf32>
      %swap3A_85 = arith.index_cast %add3A_72 : i32 to index
      %swap3A_86 = arith.constant 32 : index
      %swap3A_87 = tpu.vector_load %arg5[%swap3A_85, %swap3A_86] {strides = array<i32>} : memref<80x128xf32, #tpu.memory_space<vmem>>, vector<16xf32>,
      tpu.vector_store %arg5[%swap3A_85, %swap3A_86], %broadcast_in_dim3A_84 {strides = array<i32>} : memref<80x128xf32, #tpu.memory_space<vmem>>, vector<16xf32>,
      %broadcast_in_dim3A_88 = arith.constant 0.000000e+00 : f32
      %broadcast_in_dim3A_89 = vector.broadcast %broadcast_in_dim3A_88 : f32 to vector<16xf32>
      %swap3A_90 = arith.index_cast %add3A_72 : i32 to index
      %swap3A_91 = arith.constant 48 : index
      %swap3A_92 = tpu.vector_load %arg5[%swap3A_90, %swap3A_91] {strides = array<i32>} : memref<80x128xf32, #tpu.memory_space<vmem>>, vector<16xf32>,
      tpu.vector_store %arg5[%swap3A_90, %swap3A_91], %broadcast_in_dim3A_89 {strides = array<i32>} : memref<80x128xf32, #tpu.memory_space<vmem>>, vector<16xf32>,
      %broadcast_in_dim3A_93 = arith.constant 0.000000e+00 : f32
      %broadcast_in_dim3A_94 = vector.broadcast %broadcast_in_dim3A_93 : f32 to vector<16xf32>
      %swap3A_95 = arith.index_cast %add3A_72 : i32 to index
      %swap3A_96 = arith.constant 64 : index
      %swap3A_97 = tpu.vector_load %arg5[%swap3A_95, %swap3A_96] {strides = array<i32>} : memref<80x128xf32, #tpu.memory_space<vmem>>, vector<16xf32>,
      tpu.vector_store %arg5[%swap3A_95, %swap3A_96], %broadcast_in_dim3A_94 {strides = array<i32>} : memref<80x128xf32, #tpu.memory_space<vmem>>, vector<16xf32>,
      %broadcast_in_dim3A_98 = arith.constant 0.000000e+00 : f32
      %broadcast_in_dim3A_99 = vector.broadcast %broadcast_in_dim3A_98 : f32 to vector<16xf32>
      %swap3A_100 = arith.index_cast %add3A_72 : i32 to index
      %swap3A_101 = arith.constant 80 : index
      %swap3A_102 = tpu.vector_load %arg5[%swap3A_100, %swap3A_101] {strides = array<i32>} : memref<80x128xf32, #tpu.memory_space<vmem>>, vector<16xf32>,
      tpu.vector_store %arg5[%swap3A_100, %swap3A_101], %broadcast_in_dim3A_99 {strides = array<i32>} : memref<80x128xf32, #tpu.memory_space<vmem>>, vector<16xf32>,
      %broadcast_in_dim3A_103 = arith.constant 0.000000e+00 : f32
      %broadcast_in_dim3A_104 = vector.broadcast %broadcast_in_dim3A_103 : f32 to vector<16xf32>
      %swap3A_105 = arith.index_cast %add3A_72 : i32 to index
      %swap3A_106 = arith.constant 96 : index
      %swap3A_107 = tpu.vector_load %arg5[%swap3A_105, %swap3A_106] {strides = array<i32>} : memref<80x128xf32, #tpu.memory_space<vmem>>, vector<16xf32>,
      tpu.vector_store %arg5[%swap3A_105, %swap3A_106], %broadcast_in_dim3A_104 {strides = array<i32>} : memref<80x128xf32, #tpu.memory_space<vmem>>, vector<16xf32>,
      %broadcast_in_dim3A_108 = arith.constant 0.000000e+00 : f32
      %broadcast_in_dim3A_109 = vector.broadcast %broadcast_in_dim3A_108 : f32 to vector<16xf32>
      %swap3A_110 = arith.index_cast %add3A_72 : i32 to index
      %swap3A_111 = arith.constant 112 : index
      %swap3A_112 = tpu.vector_load %arg5[%swap3A_110, %swap3A_111] {strides = array<i32>} : memref<80x128xf32, #tpu.memory_space<vmem>>, vector<16xf32>,
      tpu.vector_store %arg5[%swap3A_110, %swap3A_111], %broadcast_in_dim3A_109 {strides = array<i32>} : memref<80x128xf32, #tpu.memory_space<vmem>>, vector<16xf32>,
    }
    %scan3A_4 = arith.constant 80 : i32
    %eq3A = arith.constant 0 : i32
    %eq3A_5 = arith.cmpi eq, %arg1, %eq3A : i32
    %convert_element_type3A = arith.extui %eq3A_5 : i1 to i32
    %cond3A = arith.constant 0 : i32
    %cond3A_6 = arith.cmpi ne, %convert_element_type3A, %cond3A : i32
    scf.if %cond3A_6 {
      "tpu.region"() ({
        %run_scoped3A_68 = tpu.sem_alloc : memref<!tpu.dma_semaphore, #tpu.memory_space<semaphore_mem>>
        tpu.enqueue_dma source(%arg5 : memref<80x128xf32, #tpu.memory_space<vmem>>) target(%arg7 : memref<80x128xf32, #tpu.memory_space<vmem_shared>>) target_semaphore(%run_scoped3A_68 : memref<!tpu.dma_semaphore, #tpu.memory_space<semaphore_mem>>)
        tpu.wait_dma2 semaphore(%run_scoped3A_68 : memref<!tpu.dma_semaphore, #tpu.memory_space<semaphore_mem>>) src(%arg5 : memref<80x128xf32, #tpu.memory_space<vmem>>) dst(%arg7 : memref<80x128xf32, #tpu.memory_space<vmem_shared>>)
        tpu.yield
      }) : () -> ()
    } else {
    }
    %iota3A = tpu.iota {dimensions = array<i32: 0>} : vector<16xi32>
    %add3A_7 = arith.constant 0 : i32
    %add3A_8 = vector.broadcast %add3A_7 : i32 to vector<16xi32>
    %add3A_9 = arith.addi %iota3A, %add3A_8 : vector<16xi32>
    %swap3A = arith.constant 0 : i32
    %swap3A_10 = arith.constant 0 : i32
    %swap3A_11 = arith.index_cast %swap3A : i32 to index
    %swap3A_12 = arith.index_cast %swap3A_10 : i32 to index
    %swap3A_13 = arith.constant 0 : index
    %swap3A_14 = tpu.vector_load %arg6[%swap3A_11, %swap3A_12, %swap3A_13] {strides = array<i32>} : memref<1x1x80xi32, #tpu.memory_space<vmem>>, vector<16xi32>,
    tpu.vector_store %arg6[%swap3A_11, %swap3A_12, %swap3A_13], %add3A_9 {strides = array<i32>} : memref<1x1x80xi32, #tpu.memory_space<vmem>>, vector<16xi32>,
    %iota3A_15 = tpu.iota {dimensions = array<i32: 0>} : vector<16xi32>
    %add3A_16 = arith.constant 16 : i32
    %add3A_17 = vector.broadcast %add3A_16 : i32 to vector<16xi32>
    %add3A_18 = arith.addi %iota3A_15, %add3A_17 : vector<16xi32>
    %swap3A_19 = arith.constant 0 : i32
    %swap3A_20 = arith.constant 0 : i32
    %swap3A_21 = arith.index_cast %swap3A_19 : i32 to index
    %swap3A_22 = arith.index_cast %swap3A_20 : i32 to index
    %swap3A_23 = arith.constant 16 : index
    %swap3A_24 = tpu.vector_load %arg6[%swap3A_21, %swap3A_22, %swap3A_23] {strides = array<i32>} : memref<1x1x80xi32, #tpu.memory_space<vmem>>, vector<16xi32>,
    tpu.vector_store %arg6[%swap3A_21, %swap3A_22, %swap3A_23], %add3A_18 {strides = array<i32>} : memref<1x1x80xi32, #tpu.memory_space<vmem>>, vector<16xi32>,
    %iota3A_25 = tpu.iota {dimensions = array<i32: 0>} : vector<16xi32>
    %add3A_26 = arith.constant 32 : i32
    %add3A_27 = vector.broadcast %add3A_26 : i32 to vector<16xi32>
    %add3A_28 = arith.addi %iota3A_25, %add3A_27 : vector<16xi32>
    %swap3A_29 = arith.constant 0 : i32
    %swap3A_30 = arith.constant 0 : i32
    %swap3A_31 = arith.index_cast %swap3A_29 : i32 to index
    %swap3A_32 = arith.index_cast %swap3A_30 : i32 to index
    %swap3A_33 = arith.constant 32 : index
    %swap3A_34 = tpu.vector_load %arg6[%swap3A_31, %swap3A_32, %swap3A_33] {strides = array<i32>} : memref<1x1x80xi32, #tpu.memory_space<vmem>>, vector<16xi32>,
    tpu.vector_store %arg6[%swap3A_31, %swap3A_32, %swap3A_33], %add3A_28 {strides = array<i32>} : memref<1x1x80xi32, #tpu.memory_space<vmem>>, vector<16xi32>,
    %iota3A_35 = tpu.iota {dimensions = array<i32: 0>} : vector<16xi32>
    %add3A_36 = arith.constant 48 : i32
    %add3A_37 = vector.broadcast %add3A_36 : i32 to vector<16xi32>
    %add3A_38 = arith.addi %iota3A_35, %add3A_37 : vector<16xi32>
    %swap3A_39 = arith.constant 0 : i32
    %swap3A_40 = arith.constant 0 : i32
    %swap3A_41 = arith.index_cast %swap3A_39 : i32 to index
    %swap3A_42 = arith.index_cast %swap3A_40 : i32 to index
    %swap3A_43 = arith.constant 48 : index
    %swap3A_44 = tpu.vector_load %arg6[%swap3A_41, %swap3A_42, %swap3A_43] {strides = array<i32>} : memref<1x1x80xi32, #tpu.memory_space<vmem>>, vector<16xi32>,
    tpu.vector_store %arg6[%swap3A_41, %swap3A_42, %swap3A_43], %add3A_38 {strides = array<i32>} : memref<1x1x80xi32, #tpu.memory_space<vmem>>, vector<16xi32>,
    %iota3A_45 = tpu.iota {dimensions = array<i32: 0>} : vector<16xi32>
    %add3A_46 = arith.constant 64 : i32
    %add3A_47 = vector.broadcast %add3A_46 : i32 to vector<16xi32>
    %add3A_48 = arith.addi %iota3A_45, %add3A_47 : vector<16xi32>
    %swap3A_49 = arith.constant 0 : i32
    %swap3A_50 = arith.constant 0 : i32
    %swap3A_51 = arith.index_cast %swap3A_49 : i32 to index
    %swap3A_52 = arith.index_cast %swap3A_50 : i32 to index
    %swap3A_53 = arith.constant 64 : index
    %swap3A_54 = tpu.vector_load %arg6[%swap3A_51, %swap3A_52, %swap3A_53] {strides = array<i32>} : memref<1x1x80xi32, #tpu.memory_space<vmem>>, vector<16xi32>,
    tpu.vector_store %arg6[%swap3A_51, %swap3A_52, %swap3A_53], %add3A_48 {strides = array<i32>} : memref<1x1x80xi32, #tpu.memory_space<vmem>>, vector<16xi32>,
    "tpu.region"() ({
      %run_scoped3A_68 = tpu.sem_alloc : memref<!tpu.dma_semaphore, #tpu.memory_space<semaphore_mem>>
      %dma_start3A = arith.constant 0 : i32
      %dma_start3A_69 = arith.constant 0 : i32
      %dma_start3A_70 = tpu.memref_slice %arg2[%add3A, %dma_start3A, %dma_start3A_69] : memref<32x625x16xi32, #tpu.memory_space<hbm>> -> memref<1x625x16xi32, #tpu.memory_space<hbm>>
      %dma_start3A_71 = tpu.memref_squeeze %dma_start3A_70 : memref<1x625x16xi32, #tpu.memory_space<hbm>> -> memref<625x16xi32, #tpu.memory_space<hbm>>
      %dma_start3A_72 = arith.constant 0 : i32
      %dma_start3A_73 = arith.constant 0 : i32
      %dma_start3A_74 = tpu.memref_slice %arg2[%add3A, %dma_start3A_72, %dma_start3A_73] : memref<32x625x16xi32, #tpu.memory_space<hbm>> -> memref<1x625x16xi32, #tpu.memory_space<hbm>>
      %dma_start3A_75 = tpu.memref_squeeze %dma_start3A_74 : memref<1x625x16xi32, #tpu.memory_space<hbm>> -> memref<625x16xi32, #tpu.memory_space<hbm>>
      tpu.enqueue_dma source(%dma_start3A_75 : memref<625x16xi32, #tpu.memory_space<hbm>>) target(%arg4 : memref<625x16xi32, #tpu.memory_space<vmem>>) target_semaphore(%run_scoped3A_68 : memref<!tpu.dma_semaphore, #tpu.memory_space<semaphore_mem>>)
      %dma_wait3A = arith.constant 0 : i32
      %dma_wait3A_76 = arith.constant 0 : i32
      %dma_wait3A_77 = tpu.memref_slice %arg2[%add3A, %dma_wait3A, %dma_wait3A_76] : memref<32x625x16xi32, #tpu.memory_space<hbm>> -> memref<1x625x16xi32, #tpu.memory_space<hbm>>
      %dma_wait3A_78 = tpu.memref_squeeze %dma_wait3A_77 : memref<1x625x16xi32, #tpu.memory_space<hbm>> -> memref<625x16xi32, #tpu.memory_space<hbm>>
      %dma_wait3A_79 = arith.constant 0 : i32
      %dma_wait3A_80 = arith.constant 0 : i32
      %dma_wait3A_81 = tpu.memref_slice %arg2[%add3A, %dma_wait3A_79, %dma_wait3A_80] : memref<32x625x16xi32, #tpu.memory_space<hbm>> -> memref<1x625x16xi32, #tpu.memory_space<hbm>>
      %dma_wait3A_82 = tpu.memref_squeeze %dma_wait3A_81 : memref<1x625x16xi32, #tpu.memory_space<hbm>> -> memref<625x16xi32, #tpu.memory_space<hbm>>
      tpu.wait_dma2 semaphore(%run_scoped3A_68 : memref<!tpu.dma_semaphore, #tpu.memory_space<semaphore_mem>>) src(%dma_wait3A_82 : memref<625x16xi32, #tpu.memory_space<hbm>>) dst(%arg4 : memref<625x16xi32, #tpu.memory_space<vmem>>)
      tpu.yield
    }) : () -> ()
    %broadcast_in_dim3A = arith.constant 1.000000e+00 : f32
    %broadcast_in_dim3A_55 = vector.broadcast %broadcast_in_dim3A : f32 to vector<16xf32>
    %scan3A_56 = arith.constant 0 : i32
    %scan3A_57 = arith.constant 125 : i32
    %scan3A_58 = arith.addi %scan3A_56, %scan3A_57 : i32
    %scan3A_59 = arith.constant 1 : i32
    scf.for %scan3A_68 = %scan3A_56 to %scan3A_58 step %scan3A_59  : i32 {
      %mul3A_69 = arith.constant 1 : i32
      %mul3A_70 = arith.muli %scan3A_68, %mul3A_69 : i32
      %add3A_71 = arith.constant 0 : i32
      %add3A_72 = arith.addi %add3A_71, %mul3A_70 : i32
      %mul3A_73 = arith.constant 5 : i32
      %mul3A_74 = arith.muli %add3A_72, %mul3A_73 : i32
      %add3A_75 = arith.constant 0 : i32
      %add3A_76 = arith.addi %mul3A_74, %add3A_75 : i32
      %get3A = arith.index_cast %add3A_76 : i32 to index
      %get3A_77 = arith.constant 0 : index
      %get3A_78 = tpu.vector_load %arg4[%get3A, %get3A_77] {strides = array<i32>} : memref<625x16xi32, #tpu.memory_space<vmem>>, vector<16xi32>,
      %shift_right_logical3A = arith.constant 7 : i32
      %shift_right_logical3A_79 = vector.broadcast %shift_right_logical3A : i32 to vector<16xi32>
      %shift_right_logical3A_80 = arith.shrui %get3A_78, %shift_right_logical3A_79 : vector<16xi32>
      %and3A = arith.constant 127 : i32
      %and3A_81 = vector.broadcast %and3A : i32 to vector<16xi32>
      %and3A_82 = arith.andi %get3A_78, %and3A_81 : vector<16xi32>
      tpu.vector_store_idx %arg5[%shift_right_logical3A_80, %and3A_82], %broadcast_in_dim3A_55 {add = true} : memref<80x128xf32, #tpu.memory_space<vmem>>[vector<16xi32>, vector<16xi32>], vector<16xf32>,
      %mul3A_83 = arith.constant 5 : i32
      %mul3A_84 = arith.muli %add3A_72, %mul3A_83 : i32
      %add3A_85 = arith.constant 1 : i32
      %add3A_86 = arith.addi %mul3A_84, %add3A_85 : i32
      %get3A_87 = arith.index_cast %add3A_86 : i32 to index
      %get3A_88 = arith.constant 0 : index
      %get3A_89 = tpu.vector_load %arg4[%get3A_87, %get3A_88] {strides = array<i32>} : memref<625x16xi32, #tpu.memory_space<vmem>>, vector<16xi32>,
      %shift_right_logical3A_90 = arith.constant 7 : i32
      %shift_right_logical3A_91 = vector.broadcast %shift_right_logical3A_90 : i32 to vector<16xi32>
      %shift_right_logical3A_92 = arith.shrui %get3A_89, %shift_right_logical3A_91 : vector<16xi32>
      %and3A_93 = arith.constant 127 : i32
      %and3A_94 = vector.broadcast %and3A_93 : i32 to vector<16xi32>
      %and3A_95 = arith.andi %get3A_89, %and3A_94 : vector<16xi32>
      tpu.vector_store_idx %arg5[%shift_right_logical3A_92, %and3A_95], %broadcast_in_dim3A_55 {add = true} : memref<80x128xf32, #tpu.memory_space<vmem>>[vector<16xi32>, vector<16xi32>], vector<16xf32>,
      %mul3A_96 = arith.constant 5 : i32
      %mul3A_97 = arith.muli %add3A_72, %mul3A_96 : i32
      %add3A_98 = arith.constant 2 : i32
      %add3A_99 = arith.addi %mul3A_97, %add3A_98 : i32
      %get3A_100 = arith.index_cast %add3A_99 : i32 to index
      %get3A_101 = arith.constant 0 : index
      %get3A_102 = tpu.vector_load %arg4[%get3A_100, %get3A_101] {strides = array<i32>} : memref<625x16xi32, #tpu.memory_space<vmem>>, vector<16xi32>,
      %shift_right_logical3A_103 = arith.constant 7 : i32
      %shift_right_logical3A_104 = vector.broadcast %shift_right_logical3A_103 : i32 to vector<16xi32>
      %shift_right_logical3A_105 = arith.shrui %get3A_102, %shift_right_logical3A_104 : vector<16xi32>
      %and3A_106 = arith.constant 127 : i32
      %and3A_107 = vector.broadcast %and3A_106 : i32 to vector<16xi32>
      %and3A_108 = arith.andi %get3A_102, %and3A_107 : vector<16xi32>
      tpu.vector_store_idx %arg5[%shift_right_logical3A_105, %and3A_108], %broadcast_in_dim3A_55 {add = true} : memref<80x128xf32, #tpu.memory_space<vmem>>[vector<16xi32>, vector<16xi32>], vector<16xf32>,
      %mul3A_109 = arith.constant 5 : i32
      %mul3A_110 = arith.muli %add3A_72, %mul3A_109 : i32
      %add3A_111 = arith.constant 3 : i32
      %add3A_112 = arith.addi %mul3A_110, %add3A_111 : i32
      %get3A_113 = arith.index_cast %add3A_112 : i32 to index
      %get3A_114 = arith.constant 0 : index
      %get3A_115 = tpu.vector_load %arg4[%get3A_113, %get3A_114] {strides = array<i32>} : memref<625x16xi32, #tpu.memory_space<vmem>>, vector<16xi32>,
      %shift_right_logical3A_116 = arith.constant 7 : i32
      %shift_right_logical3A_117 = vector.broadcast %shift_right_logical3A_116 : i32 to vector<16xi32>
      %shift_right_logical3A_118 = arith.shrui %get3A_115, %shift_right_logical3A_117 : vector<16xi32>
      %and3A_119 = arith.constant 127 : i32
      %and3A_120 = vector.broadcast %and3A_119 : i32 to vector<16xi32>
      %and3A_121 = arith.andi %get3A_115, %and3A_120 : vector<16xi32>
      tpu.vector_store_idx %arg5[%shift_right_logical3A_118, %and3A_121], %broadcast_in_dim3A_55 {add = true} : memref<80x128xf32, #tpu.memory_space<vmem>>[vector<16xi32>, vector<16xi32>], vector<16xf32>,
      %mul3A_122 = arith.constant 5 : i32
      %mul3A_123 = arith.muli %add3A_72, %mul3A_122 : i32
      %add3A_124 = arith.constant 4 : i32
      %add3A_125 = arith.addi %mul3A_123, %add3A_124 : i32
      %get3A_126 = arith.index_cast %add3A_125 : i32 to index
      %get3A_127 = arith.constant 0 : index
      %get3A_128 = tpu.vector_load %arg4[%get3A_126, %get3A_127] {strides = array<i32>} : memref<625x16xi32, #tpu.memory_space<vmem>>, vector<16xi32>,
      %shift_right_logical3A_129 = arith.constant 7 : i32
      %shift_right_logical3A_130 = vector.broadcast %shift_right_logical3A_129 : i32 to vector<16xi32>
      %shift_right_logical3A_131 = arith.shrui %get3A_128, %shift_right_logical3A_130 : vector<16xi32>
      %and3A_132 = arith.constant 127 : i32
      %and3A_133 = vector.broadcast %and3A_132 : i32 to vector<16xi32>
      %and3A_134 = arith.andi %get3A_128, %and3A_133 : vector<16xi32>
      tpu.vector_store_idx %arg5[%shift_right_logical3A_131, %and3A_134], %broadcast_in_dim3A_55 {add = true} : memref<80x128xf32, #tpu.memory_space<vmem>>[vector<16xi32>, vector<16xi32>], vector<16xf32>,
    }
    %scan3A_60 = arith.constant 125 : i32
    %barrier3A = arith.constant 0 : index
    tpu.barrier barrier_id(%barrier3A)
    %run_scoped3A = arith.constant 0 : i32
    %run_scoped3A_61 = arith.constant 0 : i32
    "tpu.region"() ({
      %run_scoped3A_68 = tpu.sem_alloc : memref<!tpu.dma_semaphore, #tpu.memory_space<semaphore_mem>>
      %dma_start3A = arith.constant 0 : i32
      %dma_start3A_69 = tpu.memref_slice %arg6[%run_scoped3A, %run_scoped3A_61, %dma_start3A] : memref<1x1x80xi32, #tpu.memory_space<vmem>> -> memref<1x1x80xi32, #tpu.memory_space<vmem>>
      %dma_start3A_70 = tpu.memref_squeeze %dma_start3A_69 : memref<1x1x80xi32, #tpu.memory_space<vmem>> -> memref<80xi32, #tpu.memory_space<vmem>>
      %dma_start3A_71 = arith.constant 0 : i32
      %dma_start3A_72 = arith.constant 0 : i32
      %dma_start3A_73 = tpu.memref_slice %arg7[%dma_start3A_71, %dma_start3A_72] : memref<80x128xf32, #tpu.memory_space<vmem_shared>> -> memref<80x128xf32, #tpu.memory_space<vmem_shared>>
      tpu.enqueue_indirect_dma source(%arg5 : memref<80x128xf32, #tpu.memory_space<vmem>>) target(%dma_start3A_73 : memref<80x128xf32, #tpu.memory_space<vmem_shared>>) offsets(%dma_start3A_70 : memref<80xi32, #tpu.memory_space<vmem>>) semaphore(%run_scoped3A_68 : memref<!tpu.dma_semaphore, #tpu.memory_space<semaphore_mem>>) {add = true}
      %dma_wait3A = arith.constant 0 : i32
      %dma_wait3A_74 = tpu.memref_slice %arg6[%run_scoped3A, %run_scoped3A_61, %dma_wait3A] : memref<1x1x80xi32, #tpu.memory_space<vmem>> -> memref<1x1x80xi32, #tpu.memory_space<vmem>>
      %dma_wait3A_75 = tpu.memref_squeeze %dma_wait3A_74 : memref<1x1x80xi32, #tpu.memory_space<vmem>> -> memref<80xi32, #tpu.memory_space<vmem>>
      %dma_wait3A_76 = arith.constant 0 : i32
      %dma_wait3A_77 = arith.constant 0 : i32
      %dma_wait3A_78 = tpu.memref_slice %arg7[%dma_wait3A_76, %dma_wait3A_77] : memref<80x128xf32, #tpu.memory_space<vmem_shared>> -> memref<80x128xf32, #tpu.memory_space<vmem_shared>>
      tpu.wait_indirect_dma semaphore(%run_scoped3A_68 : memref<!tpu.dma_semaphore, #tpu.memory_space<semaphore_mem>>) src(%arg5 : memref<80x128xf32, #tpu.memory_space<vmem>>) dst(%dma_wait3A_78 : memref<80x128xf32, #tpu.memory_space<vmem_shared>>)
      tpu.yield
    }) : () -> ()
    %barrier3A_62 = arith.constant 0 : index
    tpu.barrier barrier_id(%barrier3A_62)
    %eq3A_63 = arith.constant 0 : i32
    %eq3A_64 = arith.cmpi eq, %arg1, %eq3A_63 : i32
    %convert_element_type3A_65 = arith.extui %eq3A_64 : i1 to i32
    %cond3A_66 = arith.constant 0 : i32
    %cond3A_67 = arith.cmpi ne, %convert_element_type3A_65, %cond3A_66 : i32
    scf.if %cond3A_67 {
      %mul3A_68 = arith.constant 80 : i32
      %mul3A_69 = arith.muli %arg0, %mul3A_68 : i32
      "tpu.region"() ({
        %run_scoped3A_70 = tpu.sem_alloc : memref<!tpu.dma_semaphore, #tpu.memory_space<semaphore_mem>>
        %dma_start3A = arith.constant 0 : i32
        %dma_start3A_71 = tpu.memref_slice %arg3[%mul3A_69, %dma_start3A] : memref<160x128xf32, #tpu.memory_space<hbm>> -> memref<80x128xf32, #tpu.memory_space<hbm>>
        tpu.enqueue_dma source(%arg7 : memref<80x128xf32, #tpu.memory_space<vmem_shared>>) target(%dma_start3A_71 : memref<80x128xf32, #tpu.memory_space<hbm>>) target_semaphore(%run_scoped3A_70 : memref<!tpu.dma_semaphore, #tpu.memory_space<semaphore_mem>>)
        %dma_wait3A = arith.constant 0 : i32
        %dma_wait3A_72 = tpu.memref_slice %arg3[%mul3A_69, %dma_wait3A] : memref<160x128xf32, #tpu.memory_space<hbm>> -> memref<80x128xf32, #tpu.memory_space<hbm>>
        tpu.wait_dma2 semaphore(%run_scoped3A_70 : memref<!tpu.dma_semaphore, #tpu.memory_space<semaphore_mem>>) src(%arg7 : memref<80x128xf32, #tpu.memory_space<vmem_shared>>) dst(%dma_wait3A_72 : memref<80x128xf32, #tpu.memory_space<hbm>>)
        tpu.yield
      }) : () -> ()
    } else {
    }
    return
  }
}

#map = affine_map<(d0, d1) -> (0, 0)>
#map1 = affine_map<(d0, d1) -> (0, 0, 0)>
module attributes {stable_mosaic.version = 14 : i64} {
  func.func @_gs_body(%arg0: i32, %arg1: i32, %arg2: memref<10000x128xf32, #tpu.memory_space<hbm>>, %arg3: memref<2560x1x125xi32, #tpu.memory_space<hbm>>, %arg4: memref<2560x1x125xi32, #tpu.memory_space<hbm>>, %arg5: memref<20480x128xf32, #tpu.memory_space<hbm>>, %arg6: memref<80x1x125xi32, #tpu.memory_space<vmem>>, %arg7: memref<2x1x125xi32, #tpu.memory_space<vmem>>, %arg8: memref<125x128xf32, #tpu.memory_space<vmem>>, %arg9: memref<125x128xf32, #tpu.memory_space<vmem>>, %arg10: memref<10240x128xf32, #tpu.memory_space<vmem_shared>>, %arg11: memref<!tpu.dma_semaphore, #tpu.memory_space<semaphore_mem>>, %arg12: memref<!tpu.dma_semaphore, #tpu.memory_space<semaphore_mem>>, %arg13: memref<!tpu.dma_semaphore, #tpu.memory_space<semaphore_mem>>, %arg14: memref<!tpu.dma_semaphore, #tpu.memory_space<semaphore_mem>>, %arg15: memref<!tpu.dma_semaphore, #tpu.memory_space<semaphore_mem>>) attributes {dimension_semantics = [#tpu.dimension_semantics<core_parallel>, #tpu.dimension_semantics<subcore_parallel>], iteration_bounds = array<i64: 2, 16>, scalar_prefetch = 0 : i64, scratch_operands = 10 : i64, tpu.core_type = #tpu.core_type<sc_vector_subcore>, window_params = [{transform_indices = #map}, {transform_indices = #map1}, {transform_indices = #map1}, {transform_indices = #map}]} {
    %mul3A = arith.constant 16 : i32
    %mul3A_0 = arith.muli %arg0, %mul3A : i32
    %add3A = arith.addi %mul3A_0, %arg1 : i32
    %mul3A_1 = arith.constant 80 : i32
    %mul3A_2 = arith.muli %add3A, %mul3A_1 : i32
    "tpu.region"() ({
      %run_scoped3A = tpu.sem_alloc : memref<!tpu.dma_semaphore, #tpu.memory_space<semaphore_mem>>
      %dma_start3A_173 = arith.constant 0 : i32
      %dma_start3A_174 = arith.constant 0 : i32
      %dma_start3A_175 = tpu.memref_slice %arg3[%mul3A_2, %dma_start3A_173, %dma_start3A_174] : memref<2560x1x125xi32, #tpu.memory_space<hbm>> -> memref<80x1x125xi32, #tpu.memory_space<hbm>>
      %dma_start3A_176 = arith.constant 0 : i32
      %dma_start3A_177 = arith.constant 0 : i32
      %dma_start3A_178 = tpu.memref_slice %arg3[%mul3A_2, %dma_start3A_176, %dma_start3A_177] : memref<2560x1x125xi32, #tpu.memory_space<hbm>> -> memref<80x1x125xi32, #tpu.memory_space<hbm>>
      tpu.enqueue_dma source(%dma_start3A_178 : memref<80x1x125xi32, #tpu.memory_space<hbm>>) target(%arg6 : memref<80x1x125xi32, #tpu.memory_space<vmem>>) target_semaphore(%run_scoped3A : memref<!tpu.dma_semaphore, #tpu.memory_space<semaphore_mem>>)
      %dma_wait3A_179 = arith.constant 0 : i32
      %dma_wait3A_180 = arith.constant 0 : i32
      %dma_wait3A_181 = tpu.memref_slice %arg3[%mul3A_2, %dma_wait3A_179, %dma_wait3A_180] : memref<2560x1x125xi32, #tpu.memory_space<hbm>> -> memref<80x1x125xi32, #tpu.memory_space<hbm>>
      %dma_wait3A_182 = arith.constant 0 : i32
      %dma_wait3A_183 = arith.constant 0 : i32
      %dma_wait3A_184 = tpu.memref_slice %arg3[%mul3A_2, %dma_wait3A_182, %dma_wait3A_183] : memref<2560x1x125xi32, #tpu.memory_space<hbm>> -> memref<80x1x125xi32, #tpu.memory_space<hbm>>
      tpu.wait_dma2 semaphore(%run_scoped3A : memref<!tpu.dma_semaphore, #tpu.memory_space<semaphore_mem>>) src(%dma_wait3A_184 : memref<80x1x125xi32, #tpu.memory_space<hbm>>) dst(%arg6 : memref<80x1x125xi32, #tpu.memory_space<vmem>>)
      tpu.yield
    }) : () -> ()
    %broadcast_in_dim3A = arith.constant 0.000000e+00 : f32
    %broadcast_in_dim3A_3 = vector.broadcast %broadcast_in_dim3A : f32 to vector<16xf32>
    %scan3A = arith.constant 0 : i32
    %scan3A_4 = arith.constant 125 : i32
    %scan3A_5 = arith.addi %scan3A, %scan3A_4 : i32
    %scan3A_6 = arith.constant 1 : i32
    scf.for %scan3A_173 = %scan3A to %scan3A_5 step %scan3A_6  : i32 {
      %mul3A_174 = arith.constant 1 : i32
      %mul3A_175 = arith.muli %scan3A_173, %mul3A_174 : i32
      %add3A_176 = arith.constant 0 : i32
      %add3A_177 = arith.addi %add3A_176, %mul3A_175 : i32
      %swap3A = arith.index_cast %add3A_177 : i32 to index
      %swap3A_178 = arith.constant 0 : index
      %swap3A_179 = tpu.vector_load %arg9[%swap3A, %swap3A_178] {strides = array<i32>} : memref<125x128xf32, #tpu.memory_space<vmem>>, vector<1x16xf32>,
      %swap3A_180 = vector.shape_cast %swap3A_179 : vector<1x16xf32> to vector<16xf32>
      %swap3A_181 = vector.shape_cast %broadcast_in_dim3A_3 : vector<16xf32> to vector<1x16xf32>
      tpu.vector_store %arg9[%swap3A, %swap3A_178], %swap3A_181 {strides = array<i32>} : memref<125x128xf32, #tpu.memory_space<vmem>>, vector<1x16xf32>,
      %swap3A_182 = arith.index_cast %add3A_177 : i32 to index
      %swap3A_183 = arith.constant 16 : index
      %swap3A_184 = tpu.vector_load %arg9[%swap3A_182, %swap3A_183] {strides = array<i32>} : memref<125x128xf32, #tpu.memory_space<vmem>>, vector<1x16xf32>,
      %swap3A_185 = vector.shape_cast %swap3A_184 : vector<1x16xf32> to vector<16xf32>
      %swap3A_186 = vector.shape_cast %broadcast_in_dim3A_3 : vector<16xf32> to vector<1x16xf32>
      tpu.vector_store %arg9[%swap3A_182, %swap3A_183], %swap3A_186 {strides = array<i32>} : memref<125x128xf32, #tpu.memory_space<vmem>>, vector<1x16xf32>,
      %swap3A_187 = arith.index_cast %add3A_177 : i32 to index
      %swap3A_188 = arith.constant 32 : index
      %swap3A_189 = tpu.vector_load %arg9[%swap3A_187, %swap3A_188] {strides = array<i32>} : memref<125x128xf32, #tpu.memory_space<vmem>>, vector<1x16xf32>,
      %swap3A_190 = vector.shape_cast %swap3A_189 : vector<1x16xf32> to vector<16xf32>
      %swap3A_191 = vector.shape_cast %broadcast_in_dim3A_3 : vector<16xf32> to vector<1x16xf32>
      tpu.vector_store %arg9[%swap3A_187, %swap3A_188], %swap3A_191 {strides = array<i32>} : memref<125x128xf32, #tpu.memory_space<vmem>>, vector<1x16xf32>,
      %swap3A_192 = arith.index_cast %add3A_177 : i32 to index
      %swap3A_193 = arith.constant 48 : index
      %swap3A_194 = tpu.vector_load %arg9[%swap3A_192, %swap3A_193] {strides = array<i32>} : memref<125x128xf32, #tpu.memory_space<vmem>>, vector<1x16xf32>,
      %swap3A_195 = vector.shape_cast %swap3A_194 : vector<1x16xf32> to vector<16xf32>
      %swap3A_196 = vector.shape_cast %broadcast_in_dim3A_3 : vector<16xf32> to vector<1x16xf32>
      tpu.vector_store %arg9[%swap3A_192, %swap3A_193], %swap3A_196 {strides = array<i32>} : memref<125x128xf32, #tpu.memory_space<vmem>>, vector<1x16xf32>,
      %swap3A_197 = arith.index_cast %add3A_177 : i32 to index
      %swap3A_198 = arith.constant 64 : index
      %swap3A_199 = tpu.vector_load %arg9[%swap3A_197, %swap3A_198] {strides = array<i32>} : memref<125x128xf32, #tpu.memory_space<vmem>>, vector<1x16xf32>,
      %swap3A_200 = vector.shape_cast %swap3A_199 : vector<1x16xf32> to vector<16xf32>
      %swap3A_201 = vector.shape_cast %broadcast_in_dim3A_3 : vector<16xf32> to vector<1x16xf32>
      tpu.vector_store %arg9[%swap3A_197, %swap3A_198], %swap3A_201 {strides = array<i32>} : memref<125x128xf32, #tpu.memory_space<vmem>>, vector<1x16xf32>,
      %swap3A_202 = arith.index_cast %add3A_177 : i32 to index
      %swap3A_203 = arith.constant 80 : index
      %swap3A_204 = tpu.vector_load %arg9[%swap3A_202, %swap3A_203] {strides = array<i32>} : memref<125x128xf32, #tpu.memory_space<vmem>>, vector<1x16xf32>,
      %swap3A_205 = vector.shape_cast %swap3A_204 : vector<1x16xf32> to vector<16xf32>
      %swap3A_206 = vector.shape_cast %broadcast_in_dim3A_3 : vector<16xf32> to vector<1x16xf32>
      tpu.vector_store %arg9[%swap3A_202, %swap3A_203], %swap3A_206 {strides = array<i32>} : memref<125x128xf32, #tpu.memory_space<vmem>>, vector<1x16xf32>,
      %swap3A_207 = arith.index_cast %add3A_177 : i32 to index
      %swap3A_208 = arith.constant 96 : index
      %swap3A_209 = tpu.vector_load %arg9[%swap3A_207, %swap3A_208] {strides = array<i32>} : memref<125x128xf32, #tpu.memory_space<vmem>>, vector<1x16xf32>,
      %swap3A_210 = vector.shape_cast %swap3A_209 : vector<1x16xf32> to vector<16xf32>
      %swap3A_211 = vector.shape_cast %broadcast_in_dim3A_3 : vector<16xf32> to vector<1x16xf32>
      tpu.vector_store %arg9[%swap3A_207, %swap3A_208], %swap3A_211 {strides = array<i32>} : memref<125x128xf32, #tpu.memory_space<vmem>>, vector<1x16xf32>,
      %swap3A_212 = arith.index_cast %add3A_177 : i32 to index
      %swap3A_213 = arith.constant 112 : index
      %swap3A_214 = tpu.vector_load %arg9[%swap3A_212, %swap3A_213] {strides = array<i32>} : memref<125x128xf32, #tpu.memory_space<vmem>>, vector<1x16xf32>,
      %swap3A_215 = vector.shape_cast %swap3A_214 : vector<1x16xf32> to vector<16xf32>
      %swap3A_216 = vector.shape_cast %broadcast_in_dim3A_3 : vector<16xf32> to vector<1x16xf32>
      tpu.vector_store %arg9[%swap3A_212, %swap3A_213], %swap3A_216 {strides = array<i32>} : memref<125x128xf32, #tpu.memory_space<vmem>>, vector<1x16xf32>,
    }
    %scan3A_7 = arith.constant 125 : i32
    %mul3A_8 = arith.constant 640 : i32
    %mul3A_9 = arith.muli %arg1, %mul3A_8 : i32
    %add3A_10 = arith.constant 0 : i32
    %add3A_11 = arith.addi %mul3A_9, %add3A_10 : i32
    %dma_start3A = arith.constant 0 : i32
    %dma_start3A_12 = tpu.memref_slice %arg10[%add3A_11, %dma_start3A] : memref<10240x128xf32, #tpu.memory_space<vmem_shared>> -> memref<125x128xf32, #tpu.memory_space<vmem_shared>>
    %dma_start3A_13 = arith.constant 0 : i32
    %dma_start3A_14 = tpu.memref_slice %arg10[%add3A_11, %dma_start3A_13] : memref<10240x128xf32, #tpu.memory_space<vmem_shared>> -> memref<125x128xf32, #tpu.memory_space<vmem_shared>>
    tpu.enqueue_dma source(%arg9 : memref<125x128xf32, #tpu.memory_space<vmem>>) target(%dma_start3A_14 : memref<125x128xf32, #tpu.memory_space<vmem_shared>>) target_semaphore(%arg15 : memref<!tpu.dma_semaphore, #tpu.memory_space<semaphore_mem>>)
    %mul3A_15 = arith.constant 640 : i32
    %mul3A_16 = arith.muli %arg1, %mul3A_15 : i32
    %add3A_17 = arith.constant 125 : i32
    %add3A_18 = arith.addi %mul3A_16, %add3A_17 : i32
    %dma_start3A_19 = arith.constant 0 : i32
    %dma_start3A_20 = tpu.memref_slice %arg10[%add3A_18, %dma_start3A_19] : memref<10240x128xf32, #tpu.memory_space<vmem_shared>> -> memref<125x128xf32, #tpu.memory_space<vmem_shared>>
    %dma_start3A_21 = arith.constant 0 : i32
    %dma_start3A_22 = tpu.memref_slice %arg10[%add3A_18, %dma_start3A_21] : memref<10240x128xf32, #tpu.memory_space<vmem_shared>> -> memref<125x128xf32, #tpu.memory_space<vmem_shared>>
    tpu.enqueue_dma source(%arg9 : memref<125x128xf32, #tpu.memory_space<vmem>>) target(%dma_start3A_22 : memref<125x128xf32, #tpu.memory_space<vmem_shared>>) target_semaphore(%arg15 : memref<!tpu.dma_semaphore, #tpu.memory_space<semaphore_mem>>)
    %mul3A_23 = arith.constant 640 : i32
    %mul3A_24 = arith.muli %arg1, %mul3A_23 : i32
    %add3A_25 = arith.constant 250 : i32
    %add3A_26 = arith.addi %mul3A_24, %add3A_25 : i32
    %dma_start3A_27 = arith.constant 0 : i32
    %dma_start3A_28 = tpu.memref_slice %arg10[%add3A_26, %dma_start3A_27] : memref<10240x128xf32, #tpu.memory_space<vmem_shared>> -> memref<125x128xf32, #tpu.memory_space<vmem_shared>>
    %dma_start3A_29 = arith.constant 0 : i32
    %dma_start3A_30 = tpu.memref_slice %arg10[%add3A_26, %dma_start3A_29] : memref<10240x128xf32, #tpu.memory_space<vmem_shared>> -> memref<125x128xf32, #tpu.memory_space<vmem_shared>>
    tpu.enqueue_dma source(%arg9 : memref<125x128xf32, #tpu.memory_space<vmem>>) target(%dma_start3A_30 : memref<125x128xf32, #tpu.memory_space<vmem_shared>>) target_semaphore(%arg15 : memref<!tpu.dma_semaphore, #tpu.memory_space<semaphore_mem>>)
    %mul3A_31 = arith.constant 640 : i32
    %mul3A_32 = arith.muli %arg1, %mul3A_31 : i32
    %add3A_33 = arith.constant 375 : i32
    %add3A_34 = arith.addi %mul3A_32, %add3A_33 : i32
    %dma_start3A_35 = arith.constant 0 : i32
    %dma_start3A_36 = tpu.memref_slice %arg10[%add3A_34, %dma_start3A_35] : memref<10240x128xf32, #tpu.memory_space<vmem_shared>> -> memref<125x128xf32, #tpu.memory_space<vmem_shared>>
    %dma_start3A_37 = arith.constant 0 : i32
    %dma_start3A_38 = tpu.memref_slice %arg10[%add3A_34, %dma_start3A_37] : memref<10240x128xf32, #tpu.memory_space<vmem_shared>> -> memref<125x128xf32, #tpu.memory_space<vmem_shared>>
    tpu.enqueue_dma source(%arg9 : memref<125x128xf32, #tpu.memory_space<vmem>>) target(%dma_start3A_38 : memref<125x128xf32, #tpu.memory_space<vmem_shared>>) target_semaphore(%arg15 : memref<!tpu.dma_semaphore, #tpu.memory_space<semaphore_mem>>)
    %mul3A_39 = arith.constant 640 : i32
    %mul3A_40 = arith.muli %arg1, %mul3A_39 : i32
    %add3A_41 = arith.constant 500 : i32
    %add3A_42 = arith.addi %mul3A_40, %add3A_41 : i32
    %dma_start3A_43 = arith.constant 0 : i32
    %dma_start3A_44 = tpu.memref_slice %arg10[%add3A_42, %dma_start3A_43] : memref<10240x128xf32, #tpu.memory_space<vmem_shared>> -> memref<125x128xf32, #tpu.memory_space<vmem_shared>>
    %dma_start3A_45 = arith.constant 0 : i32
    %dma_start3A_46 = tpu.memref_slice %arg10[%add3A_42, %dma_start3A_45] : memref<10240x128xf32, #tpu.memory_space<vmem_shared>> -> memref<125x128xf32, #tpu.memory_space<vmem_shared>>
    tpu.enqueue_dma source(%arg9 : memref<125x128xf32, #tpu.memory_space<vmem>>) target(%dma_start3A_46 : memref<125x128xf32, #tpu.memory_space<vmem_shared>>) target_semaphore(%arg15 : memref<!tpu.dma_semaphore, #tpu.memory_space<semaphore_mem>>)
    %mul3A_47 = arith.constant 640 : i32
    %mul3A_48 = arith.muli %arg1, %mul3A_47 : i32
    %add3A_49 = arith.constant 625 : i32
    %add3A_50 = arith.addi %mul3A_48, %add3A_49 : i32
    %dma_start3A_51 = arith.constant 0 : i32
    %dma_start3A_52 = arith.constant 0 : i32
    %dma_start3A_53 = tpu.memref_slice %arg9[%dma_start3A_51, %dma_start3A_52] : memref<125x128xf32, #tpu.memory_space<vmem>> -> memref<15x128xf32, #tpu.memory_space<vmem>>
    %dma_start3A_54 = arith.constant 0 : i32
    %dma_start3A_55 = tpu.memref_slice %arg10[%add3A_50, %dma_start3A_54] : memref<10240x128xf32, #tpu.memory_space<vmem_shared>> -> memref<15x128xf32, #tpu.memory_space<vmem_shared>>
    %dma_start3A_56 = arith.constant 0 : i32
    %dma_start3A_57 = tpu.memref_slice %arg10[%add3A_50, %dma_start3A_56] : memref<10240x128xf32, #tpu.memory_space<vmem_shared>> -> memref<15x128xf32, #tpu.memory_space<vmem_shared>>
    %dma_start3A_58 = arith.constant 0 : i32
    %dma_start3A_59 = arith.constant 0 : i32
    %dma_start3A_60 = tpu.memref_slice %arg9[%dma_start3A_58, %dma_start3A_59] : memref<125x128xf32, #tpu.memory_space<vmem>> -> memref<15x128xf32, #tpu.memory_space<vmem>>
    tpu.enqueue_dma source(%dma_start3A_60 : memref<15x128xf32, #tpu.memory_space<vmem>>) target(%dma_start3A_57 : memref<15x128xf32, #tpu.memory_space<vmem_shared>>) target_semaphore(%arg15 : memref<!tpu.dma_semaphore, #tpu.memory_space<semaphore_mem>>)
    %dma_start3A_61 = arith.constant 0 : i32
    %dma_start3A_62 = arith.constant 0 : i32
    %dma_start3A_63 = arith.constant 0 : i32
    %dma_start3A_64 = tpu.memref_slice %arg7[%dma_start3A_61, %dma_start3A_62, %dma_start3A_63] : memref<2x1x125xi32, #tpu.memory_space<vmem>> -> memref<1x1x125xi32, #tpu.memory_space<vmem>>
    %dma_start3A_65 = arith.constant 0 : i32
    %dma_start3A_66 = arith.constant 0 : i32
    %dma_start3A_67 = tpu.memref_slice %arg4[%mul3A_2, %dma_start3A_65, %dma_start3A_66] : memref<2560x1x125xi32, #tpu.memory_space<hbm>> -> memref<1x1x125xi32, #tpu.memory_space<hbm>>
    %dma_start3A_68 = arith.constant 0 : i32
    %dma_start3A_69 = arith.constant 0 : i32
    %dma_start3A_70 = arith.constant 0 : i32
    %dma_start3A_71 = tpu.memref_slice %arg7[%dma_start3A_68, %dma_start3A_69, %dma_start3A_70] : memref<2x1x125xi32, #tpu.memory_space<vmem>> -> memref<1x1x125xi32, #tpu.memory_space<vmem>>
    %dma_start3A_72 = arith.constant 0 : i32
    %dma_start3A_73 = arith.constant 0 : i32
    %dma_start3A_74 = tpu.memref_slice %arg4[%mul3A_2, %dma_start3A_72, %dma_start3A_73] : memref<2560x1x125xi32, #tpu.memory_space<hbm>> -> memref<1x1x125xi32, #tpu.memory_space<hbm>>
    tpu.enqueue_dma source(%dma_start3A_74 : memref<1x1x125xi32, #tpu.memory_space<hbm>>) target(%dma_start3A_71 : memref<1x1x125xi32, #tpu.memory_space<vmem>>) target_semaphore(%arg13 : memref<!tpu.dma_semaphore, #tpu.memory_space<semaphore_mem>>)
    %add3A_75 = arith.constant 1 : i32
    %add3A_76 = arith.addi %mul3A_2, %add3A_75 : i32
    %dma_start3A_77 = arith.constant 1 : i32
    %dma_start3A_78 = arith.constant 0 : i32
    %dma_start3A_79 = arith.constant 0 : i32
    %dma_start3A_80 = tpu.memref_slice %arg7[%dma_start3A_77, %dma_start3A_78, %dma_start3A_79] : memref<2x1x125xi32, #tpu.memory_space<vmem>> -> memref<1x1x125xi32, #tpu.memory_space<vmem>>
    %dma_start3A_81 = arith.constant 0 : i32
    %dma_start3A_82 = arith.constant 0 : i32
    %dma_start3A_83 = tpu.memref_slice %arg4[%add3A_76, %dma_start3A_81, %dma_start3A_82] : memref<2560x1x125xi32, #tpu.memory_space<hbm>> -> memref<1x1x125xi32, #tpu.memory_space<hbm>>
    %dma_start3A_84 = arith.constant 1 : i32
    %dma_start3A_85 = arith.constant 0 : i32
    %dma_start3A_86 = arith.constant 0 : i32
    %dma_start3A_87 = tpu.memref_slice %arg7[%dma_start3A_84, %dma_start3A_85, %dma_start3A_86] : memref<2x1x125xi32, #tpu.memory_space<vmem>> -> memref<1x1x125xi32, #tpu.memory_space<vmem>>
    %dma_start3A_88 = arith.constant 0 : i32
    %dma_start3A_89 = arith.constant 0 : i32
    %dma_start3A_90 = tpu.memref_slice %arg4[%add3A_76, %dma_start3A_88, %dma_start3A_89] : memref<2560x1x125xi32, #tpu.memory_space<hbm>> -> memref<1x1x125xi32, #tpu.memory_space<hbm>>
    tpu.enqueue_dma source(%dma_start3A_90 : memref<1x1x125xi32, #tpu.memory_space<hbm>>) target(%dma_start3A_87 : memref<1x1x125xi32, #tpu.memory_space<vmem>>) target_semaphore(%arg14 : memref<!tpu.dma_semaphore, #tpu.memory_space<semaphore_mem>>)
    %dma_start3A_91 = arith.constant 0 : i32
    %dma_start3A_92 = arith.constant 0 : i32
    %dma_start3A_93 = arith.constant 0 : i32
    %dma_start3A_94 = tpu.memref_slice %arg6[%dma_start3A_91, %dma_start3A_92, %dma_start3A_93] : memref<80x1x125xi32, #tpu.memory_space<vmem>> -> memref<1x1x125xi32, #tpu.memory_space<vmem>>
    %dma_start3A_95 = tpu.memref_squeeze %dma_start3A_94 : memref<1x1x125xi32, #tpu.memory_space<vmem>> -> memref<125xi32, #tpu.memory_space<vmem>>
    %dma_start3A_96 = arith.constant 0 : i32
    %dma_start3A_97 = arith.constant 0 : i32
    %dma_start3A_98 = tpu.memref_slice %arg2[%dma_start3A_96, %dma_start3A_97] : memref<10000x128xf32, #tpu.memory_space<hbm>> -> memref<10000x128xf32, #tpu.memory_space<hbm>>
    tpu.enqueue_indirect_dma source(%dma_start3A_98 : memref<10000x128xf32, #tpu.memory_space<hbm>>) target(%arg8 : memref<125x128xf32, #tpu.memory_space<vmem>>) offsets(%dma_start3A_95 : memref<125xi32, #tpu.memory_space<vmem>>) semaphore(%arg11 : memref<!tpu.dma_semaphore, #tpu.memory_space<semaphore_mem>>)
    %mul3A_99 = arith.constant 640 : i32
    %mul3A_100 = arith.muli %arg1, %mul3A_99 : i32
    %add3A_101 = arith.constant 0 : i32
    %add3A_102 = arith.addi %mul3A_100, %add3A_101 : i32
    %dma_wait3A = arith.constant 0 : i32
    %dma_wait3A_103 = tpu.memref_slice %arg10[%add3A_102, %dma_wait3A] : memref<10240x128xf32, #tpu.memory_space<vmem_shared>> -> memref<125x128xf32, #tpu.memory_space<vmem_shared>>
    %dma_wait3A_104 = arith.constant 0 : i32
    %dma_wait3A_105 = tpu.memref_slice %arg10[%add3A_102, %dma_wait3A_104] : memref<10240x128xf32, #tpu.memory_space<vmem_shared>> -> memref<125x128xf32, #tpu.memory_space<vmem_shared>>
    tpu.wait_dma2 semaphore(%arg15 : memref<!tpu.dma_semaphore, #tpu.memory_space<semaphore_mem>>) src(%arg9 : memref<125x128xf32, #tpu.memory_space<vmem>>) dst(%dma_wait3A_105 : memref<125x128xf32, #tpu.memory_space<vmem_shared>>)
    %mul3A_106 = arith.constant 640 : i32
    %mul3A_107 = arith.muli %arg1, %mul3A_106 : i32
    %add3A_108 = arith.constant 125 : i32
    %add3A_109 = arith.addi %mul3A_107, %add3A_108 : i32
    %dma_wait3A_110 = arith.constant 0 : i32
    %dma_wait3A_111 = tpu.memref_slice %arg10[%add3A_109, %dma_wait3A_110] : memref<10240x128xf32, #tpu.memory_space<vmem_shared>> -> memref<125x128xf32, #tpu.memory_space<vmem_shared>>
    %dma_wait3A_112 = arith.constant 0 : i32
    %dma_wait3A_113 = tpu.memref_slice %arg10[%add3A_109, %dma_wait3A_112] : memref<10240x128xf32, #tpu.memory_space<vmem_shared>> -> memref<125x128xf32, #tpu.memory_space<vmem_shared>>
    tpu.wait_dma2 semaphore(%arg15 : memref<!tpu.dma_semaphore, #tpu.memory_space<semaphore_mem>>) src(%arg9 : memref<125x128xf32, #tpu.memory_space<vmem>>) dst(%dma_wait3A_113 : memref<125x128xf32, #tpu.memory_space<vmem_shared>>)
    %mul3A_114 = arith.constant 640 : i32
    %mul3A_115 = arith.muli %arg1, %mul3A_114 : i32
    %add3A_116 = arith.constant 250 : i32
    %add3A_117 = arith.addi %mul3A_115, %add3A_116 : i32
    %dma_wait3A_118 = arith.constant 0 : i32
    %dma_wait3A_119 = tpu.memref_slice %arg10[%add3A_117, %dma_wait3A_118] : memref<10240x128xf32, #tpu.memory_space<vmem_shared>> -> memref<125x128xf32, #tpu.memory_space<vmem_shared>>
    %dma_wait3A_120 = arith.constant 0 : i32
    %dma_wait3A_121 = tpu.memref_slice %arg10[%add3A_117, %dma_wait3A_120] : memref<10240x128xf32, #tpu.memory_space<vmem_shared>> -> memref<125x128xf32, #tpu.memory_space<vmem_shared>>
    tpu.wait_dma2 semaphore(%arg15 : memref<!tpu.dma_semaphore, #tpu.memory_space<semaphore_mem>>) src(%arg9 : memref<125x128xf32, #tpu.memory_space<vmem>>) dst(%dma_wait3A_121 : memref<125x128xf32, #tpu.memory_space<vmem_shared>>)
    %mul3A_122 = arith.constant 640 : i32
    %mul3A_123 = arith.muli %arg1, %mul3A_122 : i32
    %add3A_124 = arith.constant 375 : i32
    %add3A_125 = arith.addi %mul3A_123, %add3A_124 : i32
    %dma_wait3A_126 = arith.constant 0 : i32
    %dma_wait3A_127 = tpu.memref_slice %arg10[%add3A_125, %dma_wait3A_126] : memref<10240x128xf32, #tpu.memory_space<vmem_shared>> -> memref<125x128xf32, #tpu.memory_space<vmem_shared>>
    %dma_wait3A_128 = arith.constant 0 : i32
    %dma_wait3A_129 = tpu.memref_slice %arg10[%add3A_125, %dma_wait3A_128] : memref<10240x128xf32, #tpu.memory_space<vmem_shared>> -> memref<125x128xf32, #tpu.memory_space<vmem_shared>>
    tpu.wait_dma2 semaphore(%arg15 : memref<!tpu.dma_semaphore, #tpu.memory_space<semaphore_mem>>) src(%arg9 : memref<125x128xf32, #tpu.memory_space<vmem>>) dst(%dma_wait3A_129 : memref<125x128xf32, #tpu.memory_space<vmem_shared>>)
    %mul3A_130 = arith.constant 640 : i32
    %mul3A_131 = arith.muli %arg1, %mul3A_130 : i32
    %add3A_132 = arith.constant 500 : i32
    %add3A_133 = arith.addi %mul3A_131, %add3A_132 : i32
    %dma_wait3A_134 = arith.constant 0 : i32
    %dma_wait3A_135 = tpu.memref_slice %arg10[%add3A_133, %dma_wait3A_134] : memref<10240x128xf32, #tpu.memory_space<vmem_shared>> -> memref<125x128xf32, #tpu.memory_space<vmem_shared>>
    %dma_wait3A_136 = arith.constant 0 : i32
    %dma_wait3A_137 = tpu.memref_slice %arg10[%add3A_133, %dma_wait3A_136] : memref<10240x128xf32, #tpu.memory_space<vmem_shared>> -> memref<125x128xf32, #tpu.memory_space<vmem_shared>>
    tpu.wait_dma2 semaphore(%arg15 : memref<!tpu.dma_semaphore, #tpu.memory_space<semaphore_mem>>) src(%arg9 : memref<125x128xf32, #tpu.memory_space<vmem>>) dst(%dma_wait3A_137 : memref<125x128xf32, #tpu.memory_space<vmem_shared>>)
    %mul3A_138 = arith.constant 640 : i32
    %mul3A_139 = arith.muli %arg1, %mul3A_138 : i32
    %add3A_140 = arith.constant 625 : i32
    %add3A_141 = arith.addi %mul3A_139, %add3A_140 : i32
    %dma_wait3A_142 = arith.constant 0 : i32
    %dma_wait3A_143 = arith.constant 0 : i32
    %dma_wait3A_144 = tpu.memref_slice %arg9[%dma_wait3A_142, %dma_wait3A_143] : memref<125x128xf32, #tpu.memory_space<vmem>> -> memref<15x128xf32, #tpu.memory_space<vmem>>
    %dma_wait3A_145 = arith.constant 0 : i32
    %dma_wait3A_146 = tpu.memref_slice %arg10[%add3A_141, %dma_wait3A_145] : memref<10240x128xf32, #tpu.memory_space<vmem_shared>> -> memref<15x128xf32, #tpu.memory_space<vmem_shared>>
    %dma_wait3A_147 = arith.constant 0 : i32
    %dma_wait3A_148 = tpu.memref_slice %arg10[%add3A_141, %dma_wait3A_147] : memref<10240x128xf32, #tpu.memory_space<vmem_shared>> -> memref<15x128xf32, #tpu.memory_space<vmem_shared>>
    %dma_wait3A_149 = arith.constant 0 : i32
    %dma_wait3A_150 = arith.constant 0 : i32
    %dma_wait3A_151 = tpu.memref_slice %arg9[%dma_wait3A_149, %dma_wait3A_150] : memref<125x128xf32, #tpu.memory_space<vmem>> -> memref<15x128xf32, #tpu.memory_space<vmem>>
    tpu.wait_dma2 semaphore(%arg15 : memref<!tpu.dma_semaphore, #tpu.memory_space<semaphore_mem>>) src(%dma_wait3A_151 : memref<15x128xf32, #tpu.memory_space<vmem>>) dst(%dma_wait3A_148 : memref<15x128xf32, #tpu.memory_space<vmem_shared>>)
    %dma_start3A_152 = arith.constant 1 : i32
    %dma_start3A_153 = arith.constant 0 : i32
    %dma_start3A_154 = arith.constant 0 : i32
    %dma_start3A_155 = tpu.memref_slice %arg6[%dma_start3A_152, %dma_start3A_153, %dma_start3A_154] : memref<80x1x125xi32, #tpu.memory_space<vmem>> -> memref<1x1x125xi32, #tpu.memory_space<vmem>>
    %dma_start3A_156 = tpu.memref_squeeze %dma_start3A_155 : memref<1x1x125xi32, #tpu.memory_space<vmem>> -> memref<125xi32, #tpu.memory_space<vmem>>
    %dma_start3A_157 = arith.constant 0 : i32
    %dma_start3A_158 = arith.constant 0 : i32
    %dma_start3A_159 = tpu.memref_slice %arg2[%dma_start3A_157, %dma_start3A_158] : memref<10000x128xf32, #tpu.memory_space<hbm>> -> memref<10000x128xf32, #tpu.memory_space<hbm>>
    tpu.enqueue_indirect_dma source(%dma_start3A_159 : memref<10000x128xf32, #tpu.memory_space<hbm>>) target(%arg9 : memref<125x128xf32, #tpu.memory_space<vmem>>) offsets(%dma_start3A_156 : memref<125xi32, #tpu.memory_space<vmem>>) semaphore(%arg12 : memref<!tpu.dma_semaphore, #tpu.memory_space<semaphore_mem>>)
    %barrier3A = arith.constant 0 : index
    tpu.barrier barrier_id(%barrier3A)
    %scan3A_160 = arith.constant 0 : i32
    %scan3A_161 = arith.constant 40 : i32
    %scan3A_162 = arith.addi %scan3A_160, %scan3A_161 : i32
    %scan3A_163 = arith.constant 1 : i32
    scf.for %scan3A_173 = %scan3A_160 to %scan3A_162 step %scan3A_163  : i32 {
      %mul3A_174 = arith.constant 1 : i32
      %mul3A_175 = arith.muli %scan3A_173, %mul3A_174 : i32
      %add3A_176 = arith.constant 0 : i32
      %add3A_177 = arith.addi %add3A_176, %mul3A_175 : i32
      %mul3A_178 = arith.constant 2 : i32
      %mul3A_179 = arith.muli %mul3A_178, %add3A_177 : i32
      %dma_wait3A_180 = arith.constant 0 : i32
      %dma_wait3A_181 = arith.constant 0 : i32
      %dma_wait3A_182 = tpu.memref_slice %arg6[%mul3A_179, %dma_wait3A_180, %dma_wait3A_181] : memref<80x1x125xi32, #tpu.memory_space<vmem>> -> memref<1x1x125xi32, #tpu.memory_space<vmem>>
      %dma_wait3A_183 = tpu.memref_squeeze %dma_wait3A_182 : memref<1x1x125xi32, #tpu.memory_space<vmem>> -> memref<125xi32, #tpu.memory_space<vmem>>
      %dma_wait3A_184 = arith.constant 0 : i32
      %dma_wait3A_185 = arith.constant 0 : i32
      %dma_wait3A_186 = tpu.memref_slice %arg2[%dma_wait3A_184, %dma_wait3A_185] : memref<10000x128xf32, #tpu.memory_space<hbm>> -> memref<10000x128xf32, #tpu.memory_space<hbm>>
      tpu.wait_indirect_dma semaphore(%arg11 : memref<!tpu.dma_semaphore, #tpu.memory_space<semaphore_mem>>) src(%dma_wait3A_186 : memref<10000x128xf32, #tpu.memory_space<hbm>>) dst(%arg8 : memref<125x128xf32, #tpu.memory_space<vmem>>)
      %dma_wait3A_187 = arith.constant 0 : i32
      %dma_wait3A_188 = arith.constant 0 : i32
      %dma_wait3A_189 = arith.constant 0 : i32
      %dma_wait3A_190 = tpu.memref_slice %arg7[%dma_wait3A_187, %dma_wait3A_188, %dma_wait3A_189] : memref<2x1x125xi32, #tpu.memory_space<vmem>> -> memref<1x1x125xi32, #tpu.memory_space<vmem>>
      %dma_wait3A_191 = arith.constant 0 : i32
      %dma_wait3A_192 = arith.constant 0 : i32
      %dma_wait3A_193 = tpu.memref_slice %arg4[%mul3A_2, %dma_wait3A_191, %dma_wait3A_192] : memref<2560x1x125xi32, #tpu.memory_space<hbm>> -> memref<1x1x125xi32, #tpu.memory_space<hbm>>
      %dma_wait3A_194 = arith.constant 0 : i32
      %dma_wait3A_195 = arith.constant 0 : i32
      %dma_wait3A_196 = arith.constant 0 : i32
      %dma_wait3A_197 = tpu.memref_slice %arg7[%dma_wait3A_194, %dma_wait3A_195, %dma_wait3A_196] : memref<2x1x125xi32, #tpu.memory_space<vmem>> -> memref<1x1x125xi32, #tpu.memory_space<vmem>>
      %dma_wait3A_198 = arith.constant 0 : i32
      %dma_wait3A_199 = arith.constant 0 : i32
      %dma_wait3A_200 = tpu.memref_slice %arg4[%mul3A_2, %dma_wait3A_198, %dma_wait3A_199] : memref<2560x1x125xi32, #tpu.memory_space<hbm>> -> memref<1x1x125xi32, #tpu.memory_space<hbm>>
      tpu.wait_dma2 semaphore(%arg13 : memref<!tpu.dma_semaphore, #tpu.memory_space<semaphore_mem>>) src(%dma_wait3A_200 : memref<1x1x125xi32, #tpu.memory_space<hbm>>) dst(%dma_wait3A_197 : memref<1x1x125xi32, #tpu.memory_space<vmem>>)
      %run_scoped3A = arith.constant 0 : i32
      %run_scoped3A_201 = arith.constant 0 : i32
      "tpu.region"() ({
        %run_scoped3A_234 = tpu.sem_alloc : memref<!tpu.dma_semaphore, #tpu.memory_space<semaphore_mem>>
        %dma_start3A_235 = arith.constant 0 : i32
        %dma_start3A_236 = tpu.memref_slice %arg7[%run_scoped3A, %run_scoped3A_201, %dma_start3A_235] : memref<2x1x125xi32, #tpu.memory_space<vmem>> -> memref<1x1x125xi32, #tpu.memory_space<vmem>>
        %dma_start3A_237 = tpu.memref_squeeze %dma_start3A_236 : memref<1x1x125xi32, #tpu.memory_space<vmem>> -> memref<125xi32, #tpu.memory_space<vmem>>
        %dma_start3A_238 = arith.constant 0 : i32
        %dma_start3A_239 = arith.constant 0 : i32
        %dma_start3A_240 = tpu.memref_slice %arg10[%dma_start3A_238, %dma_start3A_239] : memref<10240x128xf32, #tpu.memory_space<vmem_shared>> -> memref<10240x128xf32, #tpu.memory_space<vmem_shared>>
        tpu.enqueue_indirect_dma source(%arg8 : memref<125x128xf32, #tpu.memory_space<vmem>>) target(%dma_start3A_240 : memref<10240x128xf32, #tpu.memory_space<vmem_shared>>) offsets(%dma_start3A_237 : memref<125xi32, #tpu.memory_space<vmem>>) semaphore(%run_scoped3A_234 : memref<!tpu.dma_semaphore, #tpu.memory_space<semaphore_mem>>) {add = true}
        %dma_wait3A_241 = arith.constant 0 : i32
        %dma_wait3A_242 = tpu.memref_slice %arg7[%run_scoped3A, %run_scoped3A_201, %dma_wait3A_241] : memref<2x1x125xi32, #tpu.memory_space<vmem>> -> memref<1x1x125xi32, #tpu.memory_space<vmem>>
        %dma_wait3A_243 = tpu.memref_squeeze %dma_wait3A_242 : memref<1x1x125xi32, #tpu.memory_space<vmem>> -> memref<125xi32, #tpu.memory_space<vmem>>
        %dma_wait3A_244 = arith.constant 0 : i32
        %dma_wait3A_245 = arith.constant 0 : i32
        %dma_wait3A_246 = tpu.memref_slice %arg10[%dma_wait3A_244, %dma_wait3A_245] : memref<10240x128xf32, #tpu.memory_space<vmem_shared>> -> memref<10240x128xf32, #tpu.memory_space<vmem_shared>>
        tpu.wait_indirect_dma semaphore(%run_scoped3A_234 : memref<!tpu.dma_semaphore, #tpu.memory_space<semaphore_mem>>) src(%arg8 : memref<125x128xf32, #tpu.memory_space<vmem>>) dst(%dma_wait3A_246 : memref<10240x128xf32, #tpu.memory_space<vmem_shared>>)
        tpu.yield
      }) : () -> ()
      %lt3A = arith.constant 39 : i32
      %lt3A_202 = arith.cmpi slt, %add3A_177, %lt3A : i32
      %convert_element_type3A = arith.extui %lt3A_202 : i1 to i32
      %cond3A = arith.constant 0 : i32
      %cond3A_203 = arith.cmpi ne, %convert_element_type3A, %cond3A : i32
      scf.if %cond3A_203 {
        %add3A_234 = arith.addi %mul3A_2, %mul3A_179 : i32
        %add3A_235 = arith.constant 2 : i32
        %add3A_236 = arith.addi %add3A_234, %add3A_235 : i32
        %dma_start3A_237 = arith.constant 0 : i32
        %dma_start3A_238 = arith.constant 0 : i32
        %dma_start3A_239 = arith.constant 0 : i32
        %dma_start3A_240 = tpu.memref_slice %arg7[%dma_start3A_237, %dma_start3A_238, %dma_start3A_239] : memref<2x1x125xi32, #tpu.memory_space<vmem>> -> memref<1x1x125xi32, #tpu.memory_space<vmem>>
        %dma_start3A_241 = arith.constant 0 : i32
        %dma_start3A_242 = arith.constant 0 : i32
        %dma_start3A_243 = tpu.memref_slice %arg4[%add3A_236, %dma_start3A_241, %dma_start3A_242] : memref<2560x1x125xi32, #tpu.memory_space<hbm>> -> memref<1x1x125xi32, #tpu.memory_space<hbm>>
        %dma_start3A_244 = arith.constant 0 : i32
        %dma_start3A_245 = arith.constant 0 : i32
        %dma_start3A_246 = arith.constant 0 : i32
        %dma_start3A_247 = tpu.memref_slice %arg7[%dma_start3A_244, %dma_start3A_245, %dma_start3A_246] : memref<2x1x125xi32, #tpu.memory_space<vmem>> -> memref<1x1x125xi32, #tpu.memory_space<vmem>>
        %dma_start3A_248 = arith.constant 0 : i32
        %dma_start3A_249 = arith.constant 0 : i32
        %dma_start3A_250 = tpu.memref_slice %arg4[%add3A_236, %dma_start3A_248, %dma_start3A_249] : memref<2560x1x125xi32, #tpu.memory_space<hbm>> -> memref<1x1x125xi32, #tpu.memory_space<hbm>>
        tpu.enqueue_dma source(%dma_start3A_250 : memref<1x1x125xi32, #tpu.memory_space<hbm>>) target(%dma_start3A_247 : memref<1x1x125xi32, #tpu.memory_space<vmem>>) target_semaphore(%arg13 : memref<!tpu.dma_semaphore, #tpu.memory_space<semaphore_mem>>)
        %add3A_251 = arith.constant 2 : i32
        %add3A_252 = arith.addi %mul3A_179, %add3A_251 : i32
        %dma_start3A_253 = arith.constant 0 : i32
        %dma_start3A_254 = arith.constant 0 : i32
        %dma_start3A_255 = tpu.memref_slice %arg6[%add3A_252, %dma_start3A_253, %dma_start3A_254] : memref<80x1x125xi32, #tpu.memory_space<vmem>> -> memref<1x1x125xi32, #tpu.memory_space<vmem>>
        %dma_start3A_256 = tpu.memref_squeeze %dma_start3A_255 : memref<1x1x125xi32, #tpu.memory_space<vmem>> -> memref<125xi32, #tpu.memory_space<vmem>>
        %dma_start3A_257 = arith.constant 0 : i32
        %dma_start3A_258 = arith.constant 0 : i32
        %dma_start3A_259 = tpu.memref_slice %arg2[%dma_start3A_257, %dma_start3A_258] : memref<10000x128xf32, #tpu.memory_space<hbm>> -> memref<10000x128xf32, #tpu.memory_space<hbm>>
        tpu.enqueue_indirect_dma source(%dma_start3A_259 : memref<10000x128xf32, #tpu.memory_space<hbm>>) target(%arg8 : memref<125x128xf32, #tpu.memory_space<vmem>>) offsets(%dma_start3A_256 : memref<125xi32, #tpu.memory_space<vmem>>) semaphore(%arg11 : memref<!tpu.dma_semaphore, #tpu.memory_space<semaphore_mem>>)
      } else {
      }
      %add3A_204 = arith.constant 1 : i32
      %add3A_205 = arith.addi %mul3A_179, %add3A_204 : i32
      %dma_wait3A_206 = arith.constant 0 : i32
      %dma_wait3A_207 = arith.constant 0 : i32
      %dma_wait3A_208 = tpu.memref_slice %arg6[%add3A_205, %dma_wait3A_206, %dma_wait3A_207] : memref<80x1x125xi32, #tpu.memory_space<vmem>> -> memref<1x1x125xi32, #tpu.memory_space<vmem>>
      %dma_wait3A_209 = tpu.memref_squeeze %dma_wait3A_208 : memref<1x1x125xi32, #tpu.memory_space<vmem>> -> memref<125xi32, #tpu.memory_space<vmem>>
      %dma_wait3A_210 = arith.constant 0 : i32
      %dma_wait3A_211 = arith.constant 0 : i32
      %dma_wait3A_212 = tpu.memref_slice %arg2[%dma_wait3A_210, %dma_wait3A_211] : memref<10000x128xf32, #tpu.memory_space<hbm>> -> memref<10000x128xf32, #tpu.memory_space<hbm>>
      tpu.wait_indirect_dma semaphore(%arg12 : memref<!tpu.dma_semaphore, #tpu.memory_space<semaphore_mem>>) src(%dma_wait3A_212 : memref<10000x128xf32, #tpu.memory_space<hbm>>) dst(%arg9 : memref<125x128xf32, #tpu.memory_space<vmem>>)
      %dma_wait3A_213 = arith.constant 1 : i32
      %dma_wait3A_214 = arith.constant 0 : i32
      %dma_wait3A_215 = arith.constant 0 : i32
      %dma_wait3A_216 = tpu.memref_slice %arg7[%dma_wait3A_213, %dma_wait3A_214, %dma_wait3A_215] : memref<2x1x125xi32, #tpu.memory_space<vmem>> -> memref<1x1x125xi32, #tpu.memory_space<vmem>>
      %dma_wait3A_217 = arith.constant 0 : i32
      %dma_wait3A_218 = arith.constant 0 : i32
      %dma_wait3A_219 = tpu.memref_slice %arg4[%mul3A_2, %dma_wait3A_217, %dma_wait3A_218] : memref<2560x1x125xi32, #tpu.memory_space<hbm>> -> memref<1x1x125xi32, #tpu.memory_space<hbm>>
      %dma_wait3A_220 = arith.constant 1 : i32
      %dma_wait3A_221 = arith.constant 0 : i32
      %dma_wait3A_222 = arith.constant 0 : i32
      %dma_wait3A_223 = tpu.memref_slice %arg7[%dma_wait3A_220, %dma_wait3A_221, %dma_wait3A_222] : memref<2x1x125xi32, #tpu.memory_space<vmem>> -> memref<1x1x125xi32, #tpu.memory_space<vmem>>
      %dma_wait3A_224 = arith.constant 0 : i32
      %dma_wait3A_225 = arith.constant 0 : i32
      %dma_wait3A_226 = tpu.memref_slice %arg4[%mul3A_2, %dma_wait3A_224, %dma_wait3A_225] : memref<2560x1x125xi32, #tpu.memory_space<hbm>> -> memref<1x1x125xi32, #tpu.memory_space<hbm>>
      tpu.wait_dma2 semaphore(%arg14 : memref<!tpu.dma_semaphore, #tpu.memory_space<semaphore_mem>>) src(%dma_wait3A_226 : memref<1x1x125xi32, #tpu.memory_space<hbm>>) dst(%dma_wait3A_223 : memref<1x1x125xi32, #tpu.memory_space<vmem>>)
      %run_scoped3A_227 = arith.constant 1 : i32
      %run_scoped3A_228 = arith.constant 0 : i32
      "tpu.region"() ({
        %run_scoped3A_234 = tpu.sem_alloc : memref<!tpu.dma_semaphore, #tpu.memory_space<semaphore_mem>>
        %dma_start3A_235 = arith.constant 0 : i32
        %dma_start3A_236 = tpu.memref_slice %arg7[%run_scoped3A_227, %run_scoped3A_228, %dma_start3A_235] : memref<2x1x125xi32, #tpu.memory_space<vmem>> -> memref<1x1x125xi32, #tpu.memory_space<vmem>>
        %dma_start3A_237 = tpu.memref_squeeze %dma_start3A_236 : memref<1x1x125xi32, #tpu.memory_space<vmem>> -> memref<125xi32, #tpu.memory_space<vmem>>
        %dma_start3A_238 = arith.constant 0 : i32
        %dma_start3A_239 = arith.constant 0 : i32
        %dma_start3A_240 = tpu.memref_slice %arg10[%dma_start3A_238, %dma_start3A_239] : memref<10240x128xf32, #tpu.memory_space<vmem_shared>> -> memref<10240x128xf32, #tpu.memory_space<vmem_shared>>
        tpu.enqueue_indirect_dma source(%arg9 : memref<125x128xf32, #tpu.memory_space<vmem>>) target(%dma_start3A_240 : memref<10240x128xf32, #tpu.memory_space<vmem_shared>>) offsets(%dma_start3A_237 : memref<125xi32, #tpu.memory_space<vmem>>) semaphore(%run_scoped3A_234 : memref<!tpu.dma_semaphore, #tpu.memory_space<semaphore_mem>>) {add = true}
        %dma_wait3A_241 = arith.constant 0 : i32
        %dma_wait3A_242 = tpu.memref_slice %arg7[%run_scoped3A_227, %run_scoped3A_228, %dma_wait3A_241] : memref<2x1x125xi32, #tpu.memory_space<vmem>> -> memref<1x1x125xi32, #tpu.memory_space<vmem>>
        %dma_wait3A_243 = tpu.memref_squeeze %dma_wait3A_242 : memref<1x1x125xi32, #tpu.memory_space<vmem>> -> memref<125xi32, #tpu.memory_space<vmem>>
        %dma_wait3A_244 = arith.constant 0 : i32
        %dma_wait3A_245 = arith.constant 0 : i32
        %dma_wait3A_246 = tpu.memref_slice %arg10[%dma_wait3A_244, %dma_wait3A_245] : memref<10240x128xf32, #tpu.memory_space<vmem_shared>> -> memref<10240x128xf32, #tpu.memory_space<vmem_shared>>
        tpu.wait_indirect_dma semaphore(%run_scoped3A_234 : memref<!tpu.dma_semaphore, #tpu.memory_space<semaphore_mem>>) src(%arg9 : memref<125x128xf32, #tpu.memory_space<vmem>>) dst(%dma_wait3A_246 : memref<10240x128xf32, #tpu.memory_space<vmem_shared>>)
        tpu.yield
      }) : () -> ()
      %lt3A_229 = arith.constant 39 : i32
      %lt3A_230 = arith.cmpi slt, %add3A_177, %lt3A_229 : i32
      %convert_element_type3A_231 = arith.extui %lt3A_230 : i1 to i32
      %cond3A_232 = arith.constant 0 : i32
      %cond3A_233 = arith.cmpi ne, %convert_element_type3A_231, %cond3A_232 : i32
      scf.if %cond3A_233 {
        %add3A_234 = arith.addi %mul3A_2, %mul3A_179 : i32
        %add3A_235 = arith.constant 3 : i32
        %add3A_236 = arith.addi %add3A_234, %add3A_235 : i32
        %dma_start3A_237 = arith.constant 1 : i32
        %dma_start3A_238 = arith.constant 0 : i32
        %dma_start3A_239 = arith.constant 0 : i32
        %dma_start3A_240 = tpu.memref_slice %arg7[%dma_start3A_237, %dma_start3A_238, %dma_start3A_239] : memref<2x1x125xi32, #tpu.memory_space<vmem>> -> memref<1x1x125xi32, #tpu.memory_space<vmem>>
        %dma_start3A_241 = arith.constant 0 : i32
        %dma_start3A_242 = arith.constant 0 : i32
        %dma_start3A_243 = tpu.memref_slice %arg4[%add3A_236, %dma_start3A_241, %dma_start3A_242] : memref<2560x1x125xi32, #tpu.memory_space<hbm>> -> memref<1x1x125xi32, #tpu.memory_space<hbm>>
        %dma_start3A_244 = arith.constant 1 : i32
        %dma_start3A_245 = arith.constant 0 : i32
        %dma_start3A_246 = arith.constant 0 : i32
        %dma_start3A_247 = tpu.memref_slice %arg7[%dma_start3A_244, %dma_start3A_245, %dma_start3A_246] : memref<2x1x125xi32, #tpu.memory_space<vmem>> -> memref<1x1x125xi32, #tpu.memory_space<vmem>>
        %dma_start3A_248 = arith.constant 0 : i32
        %dma_start3A_249 = arith.constant 0 : i32
        %dma_start3A_250 = tpu.memref_slice %arg4[%add3A_236, %dma_start3A_248, %dma_start3A_249] : memref<2560x1x125xi32, #tpu.memory_space<hbm>> -> memref<1x1x125xi32, #tpu.memory_space<hbm>>
        tpu.enqueue_dma source(%dma_start3A_250 : memref<1x1x125xi32, #tpu.memory_space<hbm>>) target(%dma_start3A_247 : memref<1x1x125xi32, #tpu.memory_space<vmem>>) target_semaphore(%arg14 : memref<!tpu.dma_semaphore, #tpu.memory_space<semaphore_mem>>)
        %add3A_251 = arith.constant 3 : i32
        %add3A_252 = arith.addi %mul3A_179, %add3A_251 : i32
        %dma_start3A_253 = arith.constant 0 : i32
        %dma_start3A_254 = arith.constant 0 : i32
        %dma_start3A_255 = tpu.memref_slice %arg6[%add3A_252, %dma_start3A_253, %dma_start3A_254] : memref<80x1x125xi32, #tpu.memory_space<vmem>> -> memref<1x1x125xi32, #tpu.memory_space<vmem>>
        %dma_start3A_256 = tpu.memref_squeeze %dma_start3A_255 : memref<1x1x125xi32, #tpu.memory_space<vmem>> -> memref<125xi32, #tpu.memory_space<vmem>>
        %dma_start3A_257 = arith.constant 0 : i32
        %dma_start3A_258 = arith.constant 0 : i32
        %dma_start3A_259 = tpu.memref_slice %arg2[%dma_start3A_257, %dma_start3A_258] : memref<10000x128xf32, #tpu.memory_space<hbm>> -> memref<10000x128xf32, #tpu.memory_space<hbm>>
        tpu.enqueue_indirect_dma source(%dma_start3A_259 : memref<10000x128xf32, #tpu.memory_space<hbm>>) target(%arg9 : memref<125x128xf32, #tpu.memory_space<vmem>>) offsets(%dma_start3A_256 : memref<125xi32, #tpu.memory_space<vmem>>) semaphore(%arg12 : memref<!tpu.dma_semaphore, #tpu.memory_space<semaphore_mem>>)
      } else {
      }
    }
    %scan3A_164 = arith.constant 40 : i32
    %barrier3A_165 = arith.constant 0 : index
    tpu.barrier barrier_id(%barrier3A_165)
    %mul3A_166 = arith.constant 640 : i32
    %mul3A_167 = arith.muli %arg1, %mul3A_166 : i32
    %mul3A_168 = arith.constant 10240 : i32
    %mul3A_169 = arith.muli %arg0, %mul3A_168 : i32
    %mul3A_170 = arith.constant 640 : i32
    %mul3A_171 = arith.muli %arg1, %mul3A_170 : i32
    %add3A_172 = arith.addi %mul3A_169, %mul3A_171 : i32
    "tpu.region"() ({
      %run_scoped3A = tpu.sem_alloc : memref<!tpu.dma_semaphore, #tpu.memory_space<semaphore_mem>>
      %dma_start3A_173 = arith.constant 0 : i32
      %dma_start3A_174 = tpu.memref_slice %arg5[%add3A_172, %dma_start3A_173] : memref<20480x128xf32, #tpu.memory_space<hbm>> -> memref<640x128xf32, #tpu.memory_space<hbm>>
      %dma_start3A_175 = arith.constant 0 : i32
      %dma_start3A_176 = tpu.memref_slice %arg10[%mul3A_167, %dma_start3A_175] : memref<10240x128xf32, #tpu.memory_space<vmem_shared>> -> memref<640x128xf32, #tpu.memory_space<vmem_shared>>
      tpu.enqueue_dma source(%dma_start3A_176 : memref<640x128xf32, #tpu.memory_space<vmem_shared>>) target(%dma_start3A_174 : memref<640x128xf32, #tpu.memory_space<hbm>>) target_semaphore(%run_scoped3A : memref<!tpu.dma_semaphore, #tpu.memory_space<semaphore_mem>>)
      %dma_wait3A_177 = arith.constant 0 : i32
      %dma_wait3A_178 = tpu.memref_slice %arg5[%add3A_172, %dma_wait3A_177] : memref<20480x128xf32, #tpu.memory_space<hbm>> -> memref<640x128xf32, #tpu.memory_space<hbm>>
      %dma_wait3A_179 = arith.constant 0 : i32
      %dma_wait3A_180 = tpu.memref_slice %arg10[%mul3A_167, %dma_wait3A_179] : memref<10240x128xf32, #tpu.memory_space<vmem_shared>> -> memref<640x128xf32, #tpu.memory_space<vmem_shared>>
      tpu.wait_dma2 semaphore(%run_scoped3A : memref<!tpu.dma_semaphore, #tpu.memory_space<semaphore_mem>>) src(%dma_wait3A_180 : memref<640x128xf32, #tpu.memory_space<vmem_shared>>) dst(%dma_wait3A_178 : memref<640x128xf32, #tpu.memory_space<hbm>>)
      tpu.yield
    }) : () -> ()
    return
  }
}

module attributes {stable_mosaic.version = 14 : i64} {
  func.func @body(%arg0: i32, %arg1: memref<1000x128xf32, #tpu.memory_space<vmem>>, %arg2: memref<128x128xf32, #tpu.memory_space<vmem>>, %arg3: memref<1000x2xf32, #tpu.memory_space<vmem>>, %arg4: memref<1000x128xf32, #tpu.memory_space<vmem>>) attributes {dimension_semantics = [#tpu.dimension_semantics<arbitrary>], iteration_bounds = array<i64: 10>, scalar_prefetch = 0 : i64, scratch_operands = 0 : i64, tpu.core_type = #tpu.core_type<tc>, window_params = [{transform_indices = @transform_0, window_bounds = array<i64: 1000, 128>}, {pipeline_mode = #tpu.pipeline_mode<synchronous>, transform_indices = @transform_1, window_bounds = array<i64: 128, 128>}, {transform_indices = @transform_2, window_bounds = array<i64: 1000, 2>}, {transform_indices = @transform_3, window_bounds = array<i64: 1000, 128>}]} {
    %get3A = arith.constant 0 : index
    %get3A_0 = arith.constant 0 : index
    %get3A_1 = vector.load %arg3[%get3A, %get3A_0] : memref<1000x2xf32, #tpu.memory_space<vmem>>, vector<1000x2xf32>
    %slice3A = vector.extract_strided_slice %get3A_1 {offsets = [0, 0], sizes = [1000, 1], strides = [1, 1]} : vector<1000x2xf32> to vector<1000x1xf32>
    %slice3A_2 = vector.extract_strided_slice %get3A_1 {offsets = [0, 1], sizes = [1000, 1], strides = [1, 1]} : vector<1000x2xf32> to vector<1000x1xf32>
    %add3A = arith.addf %slice3A, %slice3A_2 : vector<1000x1xf32>
    %add3A_3 = arith.constant 1.000000e+00 : f32
    %add3A_4 = vector.broadcast %add3A_3 : f32 to vector<1000x1xf32>
    %add3A_5 = arith.addf %add3A, %add3A_4 : vector<1000x1xf32>
    %rsqrt3A = math.rsqrt %add3A_5 : vector<1000x1xf32>
    %get3A_6 = arith.constant 0 : index
    %get3A_7 = arith.constant 0 : index
    %get3A_8 = vector.load %arg1[%get3A_6, %get3A_7] : memref<1000x128xf32, #tpu.memory_space<vmem>>, vector<1000x128xf32>
    %get3A_9 = arith.constant 0 : index
    %get3A_10 = arith.constant 0 : index
    %get3A_11 = vector.load %arg2[%get3A_9, %get3A_10] : memref<128x128xf32, #tpu.memory_space<vmem>>, vector<128x128xf32>
    %dot_general3A = arith.constant dense<0.000000e+00> : vector<1000x128xf32>
    %dot_general3A_12 = tpu.matmul %get3A_8, %get3A_11, %dot_general3A {dimension_numbers = #tpu.dot_dimension_numbers<[1], [0], [0], [1], [0, 0, 1, 1], [], []>, precision = #tpu.contract_precision<fp32>, transpose_lhs_hint = false} : vector<1000x128xf32>, vector<128x128xf32>, vector<1000x128xf32> -> vector<1000x128xf32>
    %mul3A = vector.broadcast %rsqrt3A : vector<1000x1xf32> to vector<1000x128xf32>
    %mul3A_13 = arith.mulf %dot_general3A_12, %mul3A : vector<1000x128xf32>
    %swap3A = arith.constant 0 : index
    %swap3A_14 = arith.constant 0 : index
    %swap3A_15 = vector.load %arg4[%swap3A, %swap3A_14] : memref<1000x128xf32, #tpu.memory_space<vmem>>, vector<1000x128xf32>
    tpu.vector_store %arg4[%swap3A, %swap3A_14], %mul3A_13 {strides = array<i32>} : memref<1000x128xf32, #tpu.memory_space<vmem>>, vector<1000x128xf32>,
    return
  }
  func.func @transform_0(%arg0: i32) -> (i32, i32) {
    %c0_i32 = arith.constant 0 : i32
    %c0_i32_0 = arith.constant 0 : i32
    return %arg0, %c0_i32 : i32, i32
  }
  func.func @transform_1(%arg0: i32) -> (i32, i32) {
    %c0_i32 = arith.constant 0 : i32
    %c0_i32_0 = arith.constant 0 : i32
    %c0_i32_1 = arith.constant 0 : i32
    return %c0_i32, %c0_i32_0 : i32, i32
  }
  func.func @transform_2(%arg0: i32) -> (i32, i32) {
    %c0_i32 = arith.constant 0 : i32
    %c0_i32_0 = arith.constant 0 : i32
    return %arg0, %c0_i32 : i32, i32
  }
  func.func @transform_3(%arg0: i32) -> (i32, i32) {
    %c0_i32 = arith.constant 0 : i32
    %c0_i32_0 = arith.constant 0 : i32
    return %arg0, %c0_i32 : i32, i32
  }
}

module attributes {stable_mosaic.version = 14 : i64} {
  func.func @body(%arg0: i32, %arg1: memref<2x1000x128xf32, #tpu.memory_space<vmem>>, %arg2: memref<1000x128xf32, #tpu.memory_space<vmem>>, %arg3: memref<1000x2xf32, #tpu.memory_space<vmem>>, %arg4: memref<128x128xf32, #tpu.memory_space<vmem>>, %arg5: memref<1x128xf32, #tpu.memory_space<vmem>>, %arg6: memref<1000x128xf32, #tpu.memory_space<vmem>>) attributes {dimension_semantics = [#tpu.dimension_semantics<arbitrary>], iteration_bounds = array<i64: 10>, scalar_prefetch = 0 : i64, scratch_operands = 0 : i64, tpu.core_type = #tpu.core_type<tc>, window_params = [{transform_indices = @transform_0, window_bounds = array<i64: 2, 1000, 128>}, {transform_indices = @transform_1, window_bounds = array<i64: 1000, 128>}, {transform_indices = @transform_2, window_bounds = array<i64: 1000, 2>}, {pipeline_mode = #tpu.pipeline_mode<synchronous>, transform_indices = @transform_3, window_bounds = array<i64: 128, 128>}, {pipeline_mode = #tpu.pipeline_mode<synchronous>, transform_indices = @transform_4, window_bounds = array<i64: 1, 128>}, {transform_indices = @transform_5, window_bounds = array<i64: 1000, 128>}]} {
    %get3A = arith.constant 0 : index
    %get3A_0 = arith.constant 0 : index
    %get3A_1 = vector.load %arg3[%get3A, %get3A_0] : memref<1000x2xf32, #tpu.memory_space<vmem>>, vector<1000x2xf32>
    %slice3A = vector.extract_strided_slice %get3A_1 {offsets = [0, 0], sizes = [1000, 1], strides = [1, 1]} : vector<1000x2xf32> to vector<1000x1xf32>
    %slice3A_2 = vector.extract_strided_slice %get3A_1 {offsets = [0, 1], sizes = [1000, 1], strides = [1, 1]} : vector<1000x2xf32> to vector<1000x1xf32>
    %add3A = arith.addf %slice3A, %slice3A_2 : vector<1000x1xf32>
    %add3A_3 = arith.constant 1.000000e+00 : f32
    %add3A_4 = vector.broadcast %add3A_3 : f32 to vector<1000x1xf32>
    %add3A_5 = arith.addf %add3A, %add3A_4 : vector<1000x1xf32>
    %rsqrt3A = math.rsqrt %add3A_5 : vector<1000x1xf32>
    %get3A_6 = arith.constant 0 : index
    %get3A_7 = arith.constant 0 : index
    %get3A_8 = arith.constant 0 : index
    %get3A_9 = vector.load %arg1[%get3A_6, %get3A_7, %get3A_8] : memref<2x1000x128xf32, #tpu.memory_space<vmem>>, vector<1x1000x128xf32>
    %get3A_10 = vector.shape_cast %get3A_9 : vector<1x1000x128xf32> to vector<1000x128xf32>
    %get3A_11 = arith.constant 1 : index
    %get3A_12 = arith.constant 0 : index
    %get3A_13 = arith.constant 0 : index
    %get3A_14 = vector.load %arg1[%get3A_11, %get3A_12, %get3A_13] : memref<2x1000x128xf32, #tpu.memory_space<vmem>>, vector<1x1000x128xf32>
    %get3A_15 = vector.shape_cast %get3A_14 : vector<1x1000x128xf32> to vector<1000x128xf32>
    %add3A_16 = arith.addf %get3A_10, %get3A_15 : vector<1000x128xf32>
    %get3A_17 = arith.constant 0 : index
    %get3A_18 = arith.constant 0 : index
    %get3A_19 = vector.load %arg2[%get3A_17, %get3A_18] : memref<1000x128xf32, #tpu.memory_space<vmem>>, vector<1000x128xf32>
    %add3A_20 = arith.addf %add3A_16, %get3A_19 : vector<1000x128xf32>
    %mul3A = vector.broadcast %rsqrt3A : vector<1000x1xf32> to vector<1000x128xf32>
    %mul3A_21 = arith.mulf %add3A_20, %mul3A : vector<1000x128xf32>
    %ge3A = arith.constant 0.000000e+00 : f32
    %ge3A_22 = vector.broadcast %ge3A : f32 to vector<1000x128xf32>
    %ge3A_23 = arith.cmpf oge, %mul3A_21, %ge3A_22 : vector<1000x128xf32>
    %get3A_24 = arith.constant 0 : index
    %get3A_25 = arith.constant 0 : index
    %get3A_26 = vector.load %arg5[%get3A_24, %get3A_25] : memref<1x128xf32, #tpu.memory_space<vmem>>, vector<1x128xf32>
    %mul3A_27 = vector.broadcast %get3A_26 : vector<1x128xf32> to vector<1000x128xf32>
    %mul3A_28 = arith.mulf %mul3A_27, %mul3A_21 : vector<1000x128xf32>
    %select_n3A = arith.select %ge3A_23, %mul3A_21, %mul3A_28 : vector<1000x128xi1>, vector<1000x128xf32>
    %get3A_29 = arith.constant 0 : index
    %get3A_30 = arith.constant 0 : index
    %get3A_31 = vector.load %arg4[%get3A_29, %get3A_30] : memref<128x128xf32, #tpu.memory_space<vmem>>, vector<128x128xf32>
    %dot_general3A = arith.constant dense<0.000000e+00> : vector<1000x128xf32>
    %dot_general3A_32 = tpu.matmul %select_n3A, %get3A_31, %dot_general3A {dimension_numbers = #tpu.dot_dimension_numbers<[1], [0], [0], [1], [0, 0, 1, 1], [], []>, precision = #tpu.contract_precision<fp32>, transpose_lhs_hint = false} : vector<1000x128xf32>, vector<128x128xf32>, vector<1000x128xf32> -> vector<1000x128xf32>
    %mul3A_33 = vector.broadcast %rsqrt3A : vector<1000x1xf32> to vector<1000x128xf32>
    %mul3A_34 = arith.mulf %dot_general3A_32, %mul3A_33 : vector<1000x128xf32>
    %swap3A = arith.constant 0 : index
    %swap3A_35 = arith.constant 0 : index
    %swap3A_36 = vector.load %arg6[%swap3A, %swap3A_35] : memref<1000x128xf32, #tpu.memory_space<vmem>>, vector<1000x128xf32>
    tpu.vector_store %arg6[%swap3A, %swap3A_35], %mul3A_34 {strides = array<i32>} : memref<1000x128xf32, #tpu.memory_space<vmem>>, vector<1000x128xf32>,
    return
  }
  func.func @transform_0(%arg0: i32) -> (i32, i32, i32) {
    %c0_i32 = arith.constant 0 : i32
    %c0_i32_0 = arith.constant 0 : i32
    %c0_i32_1 = arith.constant 0 : i32
    return %c0_i32, %arg0, %c0_i32_0 : i32, i32, i32
  }
  func.func @transform_1(%arg0: i32) -> (i32, i32) {
    %c0_i32 = arith.constant 0 : i32
    %c0_i32_0 = arith.constant 0 : i32
    return %arg0, %c0_i32 : i32, i32
  }
  func.func @transform_2(%arg0: i32) -> (i32, i32) {
    %c0_i32 = arith.constant 0 : i32
    %c0_i32_0 = arith.constant 0 : i32
    return %arg0, %c0_i32 : i32, i32
  }
  func.func @transform_3(%arg0: i32) -> (i32, i32) {
    %c0_i32 = arith.constant 0 : i32
    %c0_i32_0 = arith.constant 0 : i32
    %c0_i32_1 = arith.constant 0 : i32
    return %c0_i32, %c0_i32_0 : i32, i32
  }
  func.func @transform_4(%arg0: i32) -> (i32, i32) {
    %c0_i32 = arith.constant 0 : i32
    %c0_i32_0 = arith.constant 0 : i32
    %c0_i32_1 = arith.constant 0 : i32
    return %c0_i32, %c0_i32_0 : i32, i32
  }
  func.func @transform_5(%arg0: i32) -> (i32, i32) {
    %c0_i32 = arith.constant 0 : i32
    %c0_i32_0 = arith.constant 0 : i32
    return %arg0, %c0_i32 : i32, i32
  }
}

module attributes {stable_mosaic.version = 14 : i64} {
  func.func @body(%arg0: i32, %arg1: memref<2x1000x128xf32, #tpu.memory_space<vmem>>, %arg2: memref<1000x128xf32, #tpu.memory_space<vmem>>, %arg3: memref<1000x2xf32, #tpu.memory_space<vmem>>, %arg4: memref<1x128xf32, #tpu.memory_space<vmem>>, %arg5: memref<1000x128xf32, #tpu.memory_space<vmem>>) attributes {dimension_semantics = [#tpu.dimension_semantics<arbitrary>], iteration_bounds = array<i64: 10>, scalar_prefetch = 0 : i64, scratch_operands = 0 : i64, tpu.core_type = #tpu.core_type<tc>, window_params = [{transform_indices = @transform_0, window_bounds = array<i64: 2, 1000, 128>}, {transform_indices = @transform_1, window_bounds = array<i64: 1000, 128>}, {transform_indices = @transform_2, window_bounds = array<i64: 1000, 2>}, {pipeline_mode = #tpu.pipeline_mode<synchronous>, transform_indices = @transform_3, window_bounds = array<i64: 1, 128>}, {transform_indices = @transform_4, window_bounds = array<i64: 1000, 128>}]} {
    %get3A = arith.constant 0 : index
    %get3A_0 = arith.constant 0 : index
    %get3A_1 = vector.load %arg3[%get3A, %get3A_0] : memref<1000x2xf32, #tpu.memory_space<vmem>>, vector<1000x2xf32>
    %slice3A = vector.extract_strided_slice %get3A_1 {offsets = [0, 0], sizes = [1000, 1], strides = [1, 1]} : vector<1000x2xf32> to vector<1000x1xf32>
    %slice3A_2 = vector.extract_strided_slice %get3A_1 {offsets = [0, 1], sizes = [1000, 1], strides = [1, 1]} : vector<1000x2xf32> to vector<1000x1xf32>
    %add3A = arith.addf %slice3A, %slice3A_2 : vector<1000x1xf32>
    %add3A_3 = arith.constant 1.000000e+00 : f32
    %add3A_4 = vector.broadcast %add3A_3 : f32 to vector<1000x1xf32>
    %add3A_5 = arith.addf %add3A, %add3A_4 : vector<1000x1xf32>
    %rsqrt3A = math.rsqrt %add3A_5 : vector<1000x1xf32>
    %get3A_6 = arith.constant 0 : index
    %get3A_7 = arith.constant 0 : index
    %get3A_8 = arith.constant 0 : index
    %get3A_9 = vector.load %arg1[%get3A_6, %get3A_7, %get3A_8] : memref<2x1000x128xf32, #tpu.memory_space<vmem>>, vector<1x1000x128xf32>
    %get3A_10 = vector.shape_cast %get3A_9 : vector<1x1000x128xf32> to vector<1000x128xf32>
    %get3A_11 = arith.constant 1 : index
    %get3A_12 = arith.constant 0 : index
    %get3A_13 = arith.constant 0 : index
    %get3A_14 = vector.load %arg1[%get3A_11, %get3A_12, %get3A_13] : memref<2x1000x128xf32, #tpu.memory_space<vmem>>, vector<1x1000x128xf32>
    %get3A_15 = vector.shape_cast %get3A_14 : vector<1x1000x128xf32> to vector<1000x128xf32>
    %add3A_16 = arith.addf %get3A_10, %get3A_15 : vector<1000x128xf32>
    %get3A_17 = arith.constant 0 : index
    %get3A_18 = arith.constant 0 : index
    %get3A_19 = vector.load %arg2[%get3A_17, %get3A_18] : memref<1000x128xf32, #tpu.memory_space<vmem>>, vector<1000x128xf32>
    %add3A_20 = arith.addf %add3A_16, %get3A_19 : vector<1000x128xf32>
    %mul3A = vector.broadcast %rsqrt3A : vector<1000x1xf32> to vector<1000x128xf32>
    %mul3A_21 = arith.mulf %add3A_20, %mul3A : vector<1000x128xf32>
    %ge3A = arith.constant 0.000000e+00 : f32
    %ge3A_22 = vector.broadcast %ge3A : f32 to vector<1000x128xf32>
    %ge3A_23 = arith.cmpf oge, %mul3A_21, %ge3A_22 : vector<1000x128xf32>
    %get3A_24 = arith.constant 0 : index
    %get3A_25 = arith.constant 0 : index
    %get3A_26 = vector.load %arg4[%get3A_24, %get3A_25] : memref<1x128xf32, #tpu.memory_space<vmem>>, vector<1x128xf32>
    %mul3A_27 = vector.broadcast %get3A_26 : vector<1x128xf32> to vector<1000x128xf32>
    %mul3A_28 = arith.mulf %mul3A_27, %mul3A_21 : vector<1000x128xf32>
    %select_n3A = arith.select %ge3A_23, %mul3A_21, %mul3A_28 : vector<1000x128xi1>, vector<1000x128xf32>
    %swap3A = arith.constant 0 : index
    %swap3A_29 = arith.constant 0 : index
    %swap3A_30 = vector.load %arg5[%swap3A, %swap3A_29] : memref<1000x128xf32, #tpu.memory_space<vmem>>, vector<1000x128xf32>
    tpu.vector_store %arg5[%swap3A, %swap3A_29], %select_n3A {strides = array<i32>} : memref<1000x128xf32, #tpu.memory_space<vmem>>, vector<1000x128xf32>,
    return
  }
  func.func @transform_0(%arg0: i32) -> (i32, i32, i32) {
    %c0_i32 = arith.constant 0 : i32
    %c0_i32_0 = arith.constant 0 : i32
    %c0_i32_1 = arith.constant 0 : i32
    return %c0_i32, %arg0, %c0_i32_0 : i32, i32, i32
  }
  func.func @transform_1(%arg0: i32) -> (i32, i32) {
    %c0_i32 = arith.constant 0 : i32
    %c0_i32_0 = arith.constant 0 : i32
    return %arg0, %c0_i32 : i32, i32
  }
  func.func @transform_2(%arg0: i32) -> (i32, i32) {
    %c0_i32 = arith.constant 0 : i32
    %c0_i32_0 = arith.constant 0 : i32
    return %arg0, %c0_i32 : i32, i32
  }
  func.func @transform_3(%arg0: i32) -> (i32, i32) {
    %c0_i32 = arith.constant 0 : i32
    %c0_i32_0 = arith.constant 0 : i32
    %c0_i32_1 = arith.constant 0 : i32
    return %c0_i32, %c0_i32_0 : i32, i32
  }
  func.func @transform_4(%arg0: i32) -> (i32, i32) {
    %c0_i32 = arith.constant 0 : i32
    %c0_i32_0 = arith.constant 0 : i32
    return %arg0, %c0_i32 : i32, i32
  }
}

</mosaic_0001>

<sc_bundles>
// kernel: kernel.11.cloned.1.call-start
scs
__scs_entry_jumppad:
0x0: {  	(pc) =	sbr.rel $0x88, $3  }
0x1: {  	(tag) =	ssettag $0x0;
	lr =	simm.s32 $0x1  }
0x2: {  	[smem:$0x3F9B] =	sst lr;
	_ =	strace $0xD0000000  }
0x3: {  	_ = 	snop  }
0x4: {  	_ = 	snop  }
0x5: {  	_ = 	snop  }
0x6: {  	_ = 	snop  }
0x7: {  	_ = 	snop  }
__scs_overlays_trampoline_lowered:
0x8: {  	[smem:$0x3FAA] =	sst s0  }
0x9: {  	[smem:$0x3FAB] =	sst s1  }
0xa: {  	[smem:$0x3FAC] =	sst s2  }
0xb: {  	[smem:$0x3FAD] =	sst s3  }
0xc: {  	[smem:$0x3FAE] =	sst s4  }
0xd: {  	[smem:$0x3FAF] =	sst s5  }
0xe: {  	[smem:$0x3FB0] =	sst s6  }
0xf: {  	[smem:$0x3FB1] =	sst s7  }
0x10: {  	[smem:$0x3FB2] =	sst s8  }
0x11: {  	[smem:$0x3FB3] =	sst s9;
	s0 =	simm.s32 @!p0 $0x0  }
0x12: {  	s1 =	sld [smem:$0x3F99];
	s0 =	simm.s32 @p0 $0x1  }
0x13: {  	[smem:$0x3FB4] =	sst s0;
	s0 =	simm.s32 @!p1 $0x0  }
0x14: {  	s2 =	sld [smem:$0x3F98];
	s0 =	simm.s32 @p1 $0x1  }
0x15: {  	[smem:$0x3FB5] =	sst s0;
	s0 =	simm.s32 @!p2 $0x0  }
0x16: {  	s3 =	sld [smem:$0x3FDB];
	s0 =	simm.s32 @p2 $0x1  }
0x17: {  	s4 =	simm.s32 $0x1BF5;
	[smem:$0x3FB7] =	sst s0  }
0x18: {  	s0 =	sld [smem:$0x3F9A];
	_ =	swait.ge [sflag:s4], $0x0  }
0x19: {  	s7 =	sld [smem:$0x3F9B]  }
0x1a: {  	s8 =	sadd.s32 $0xFFFFE003, lr  }
0x1b: {  	s9 =	sadd.s32 $0xFFFFFEF7, lr;
	s5 =	simm.s32 $0xFFFFFFFF;
	p2 =	slt.u32 s8, $0xFFFFF086  }
0x1c: {  	p1 =	slt.u32 s9, $0xF7A;
	s5 =	simm.s32 @!p2 $0x0  }
0x1d: {  	s5 =	simm.s32 @p1 $0x1;
	p0 =	seq.s32 s7, s2  }
0x1e: {  	s7 =	smul.u32 @!p0 $0xF7A, s2;
	p2 =	seq.s32 @!p0 s5, $0x0  }
0x1f: {  	s9 =	smul.u32 $0xF7A, s1;
	s8 =	simm.s32 @!p0 $0x1BF5;
	p2 =	por !p2, p0  }
0x20: {  	[sflag:s8] =	ssyncset.s32 @!p0 $0xFFFFF086;
	s6 =	sadd.s32 @!p0 s3, s7;
	s7 =	simm.s32 @!p0 $0x108  }
0x21: {  	s3 =	sadd.s32 s3, s9;
	s6 =	sadd.s32 @!p0 $0x88, s6;
	s7 =	simm.s32 @p2 $0x1082  }
0x22: {  	[simem:s7], [sflag:s8] =	dma.local @!p0 [hbm:s6], $0xF7A  }
0x23: {  	s9 =	sor.u32 $0xD0000000, s2;
	s6 =	simm.s32 $0x108;
	_ =	swait.ge @!p0 [sflag:s8], $0x0  }
0x24: {  	s3 =	sadd.s32 $0x88, s3;
	s6 =	simm.s32 @!p1 $0x1082;
	[sflag:s4] =	ssyncset.s32 $0xFFFFF086  }
0x25: {  	[simem:s6], [sflag:s4] =	dma.local [hbm:s3], $0xF7A  }
0x26: {  	[smem:$0x3F9B] =	sst s1;
	(tag) =	ssettag s2;
	_ =	strace s9  }
0x27: {  	s1 =	sld [smem:$0x3FAB]  }
0x28: {  	s2 =	sld [smem:$0x3FAC]  }
0x29: {  	s4 =	sld [smem:$0x3FAE]  }
0x2a: {  	p0 =	seq.s32 s5, $0x0;
	s5 =	sld [smem:$0x3FAF]  }
0x2b: {  	s6 =	sld [smem:$0x3FB0]  }
0x2c: {  	s7 =	sld [smem:$0x3FB1]  }
0x2d: {  	s3 =	simm.s32 $0x108;
	s8 =	sld [smem:$0x3FB2]  }
0x2e: {  	s3 =	simm.s32 @!p0 $0x1082;
	s9 =	sld [smem:$0x3FB3]  }
0x2f: {  	lr =	sadd.s32 s0, s3;
	s0 =	sld [smem:$0x3FAA]  }
0x30: {  	s3 =	sld [smem:$0x3FAD]  }
0x31: {  	[smem:$0x3FB6] =	sst s10  }
0x32: {  	s10 =	sld [smem:$0x3FB4];
	_ =	sdelay $0x3  }
0x33: {  	p0 =	seq.s32 s10, $0x1;
	s10 =	sld [smem:$0x3FB6];
	_ =	sdelay $0x3  }
0x34: {  	[smem:$0x3FB6] =	sst s10  }
0x35: {  	s10 =	sld [smem:$0x3FB5];
	_ =	sdelay $0x3  }
0x36: {  	p1 =	seq.s32 s10, $0x1;
	s10 =	sld [smem:$0x3FB6];
	_ =	sdelay $0x3  }
0x37: {  	[smem:$0x3FB6] =	sst s10  }
0x38: {  	s10 =	sld [smem:$0x3FB7]  }
0x39: {  	_ = 	snop;
	(pc) =	sbr.ind lr, $3  }
0x3a: {  	_ = 	snop  }
0x3b: {  	_ = 	snop  }
0x3c: {  	p2 =	seq.s32 s10, $0x1;
	s10 =	sld [smem:$0x3FB6]  }
0x3d: {  	_ =	shalt  }
0x3e: {  	_ =	shalt  }
0x3f: {  	_ =	shalt  }
0x40: {  	_ =	shalt  }
0x41: {  	_ =	shalt  }
0x42: {  	_ =	shalt  }
0x43: {  	_ =	shalt  }
0x44: {  	_ =	shalt  }
0x45: {  	_ =	shalt  }
0x46: {  	_ =	shalt  }
0x47: {  	_ =	shalt  }
0x48: {  	_ =	shalt  }
0x49: {  	_ =	shalt  }
0x4a: {  	_ =	shalt  }
0x4b: {  	_ =	shalt  }
0x4c: {  	_ =	shalt  }
0x4d: {  	_ =	shalt  }
0x4e: {  	_ =	shalt  }
0x4f: {  	_ =	shalt  }
0x50: {  	_ =	shalt  }
0x51: {  	_ =	shalt  }
0x52: {  	_ =	shalt  }
0x53: {  	_ =	shalt  }
0x54: {  	_ =	shalt  }
0x55: {  	_ =	shalt  }
0x56: {  	_ =	shalt  }
0x57: {  	_ =	shalt  }
0x58: {  	_ =	shalt  }
0x59: {  	_ =	shalt  }
0x5a: {  	_ =	shalt  }
0x5b: {  	_ =	shalt  }
0x5c: {  	_ =	shalt  }
0x5d: {  	_ =	shalt  }
0x5e: {  	_ =	shalt  }
0x5f: {  	_ =	shalt  }
0x60: {  	_ =	shalt  }
0x61: {  	_ =	shalt  }
0x62: {  	_ =	shalt  }
0x63: {  	_ =	shalt  }
0x64: {  	_ =	shalt  }
0x65: {  	_ =	shalt  }
0x66: {  	_ =	shalt  }
0x67: {  	_ =	shalt  }
0x68: {  	_ =	shalt  }
0x69: {  	_ =	shalt  }
0x6a: {  	_ =	shalt  }
0x6b: {  	_ =	shalt  }
0x6c: {  	_ =	shalt  }
0x6d: {  	_ =	shalt  }
0x6e: {  	_ =	shalt  }
0x6f: {  	_ =	shalt  }
0x70: {  	_ =	shalt  }
0x71: {  	_ =	shalt  }
0x72: {  	_ =	shalt  }
0x73: {  	_ =	shalt  }
0x74: {  	_ =	shalt  }
0x75: {  	_ =	shalt  }
0x76: {  	_ =	shalt  }
0x77: {  	_ =	shalt  }
0x78: {  	_ =	shalt  }
0x79: {  	_ =	shalt  }
0x7a: {  	_ =	shalt  }
0x7b: {  	_ =	shalt  }
0x7c: {  	_ =	shalt  }
0x7d: {  	_ =	shalt  }
0x7e: {  	_ =	shalt  }
0x7f: {  	_ =	shalt  }
0x80: {  	_ =	shalt  }
0x81: {  	_ =	shalt  }
0x82: {  	_ =	shalt  }
0x83: {  	_ =	shalt  }
0x84: {  	_ =	shalt  }
0x85: {  	_ =	shalt  }
0x86: {  	_ =	shalt  }
0x87: {  	_ =	shalt  }
.Lfunc_end0:
.L_simem_size_0:
called_computation.1_lowered:
.L_overlay_start_0:
0x88: {  	s2 =	sld [smem:$0x3FD9]  }
0x89: {  	s3 =	sld [smem:$0x3FFE];
	_ =	sdelay $0x1  }
0x8a: {  	s1 =	srdreg.scid  }
0x8b: {  	s0 =	sand.u32 $0x1, s1  }
0x8c: {  	s17 =	sshll.u32 s0, $0xA;
	s2 =	sadd.s32 s3, s2  }
0x8d: {  	s2 =	sadd.s32 s2, s17  }
0x8e: {  	[smem:$0x3FC2] =	sst s2  }
0x8f: {  	_ = 	snop  }
0x90: {  	s2 =	sld [smem:$0x3FD0];
	(tm) =	ssettm $0x1  }
0x91: {  	s18 =	sld [smem:$0x3FFB];
	_ =	sdelay $0x3  }
0x92: {  	_ =	strace s18  }
0x93: {  	s3 =	sld [smem:$0x3FFC];
	_ =	sdelay $0x3  }
0x94: {  	_ =	strace s3  }
0x95: {  	s3 =	sld [smem:$0x3FFD];
	_ =	sdelay $0x3  }
0x96: {  	_ =	strace s3  }
0x97: {  	_ =	strace $0x8FFFFFFF  }
0x98: {  	s19 =	sld [smem:$0x3FDB];
	_ =	sdelay $0x1  }
0x99: {  	s4 =	simm.s32 $_scs_section_size  }
0x9a: {  	s5 =	simm.s32 $_size__tile_overlayer_lowered;
	s6 =	simm.s32 $_tile_overlayer_lowered  }
0x9b: {  	s22 =	simm.s32 $0x1BFF;
	s21 =	sshll.u32 s6, $0x1;
	s3 =	sadd.s32 s4, s19  }
0x9c: {  	s7 =	simm.s32 $0x0;
	s20 =	sshll.u32 s5, $0x1;
	s5 =	sadd.s32 s21, s3  }
0x9d: {  	[timem:s7], [sflag:s22] =	dma.local [hbm:s5], s20  }
0x9e: {  	_ =	swait.ge [sflag:s22], s20  }
0x9f: {  	s4 =	ssub.s32 $0x0, s20;
	[sflag:s22] =	ssyncset.done $0x0  }
0xa0: {  	[sflag:s22] =	ssyncadd.s32 s4;
	_ =	sdelay $0x1  }
0xa1: {  	s23 =	simm.s32 $0x1B8B  }
0xa2: {  	_ =	swait.ge [sflag:s23], $0x1  }
0xa3: {  	[sflag:s23] =	ssyncset.done $0x0  }
0xa4: {  	s25 =	simm.s32 $0x1B8E;
	s24 =	sld [smem:$0x3FFE];
	[sflag:s23] =	ssyncadd.s32 $0xFFFFFFFF  }
0xa5: {  	s26 =	simm.s32 $execute0_lowered;
	[smem:$0x3FD2] =	sst s25  }
0xa6: {  	s5 =	sshll.u32 s26, $0x1;
	_ =	strace $0x80000049;
	[dreg:$0x1] =	wrdreg $0xFFFFFFFF  }
0xa7: {  	s28 =	simm.s32 $_size_execute0_lowered;
	s3 =	sadd.s32 s3, s5;
	[dreg:$0x0] =	wrdreg $0x0  }
0xa8: {  	s5 =	sshll.u32 s28, $0x1;
	[dreg:$0x2] =	wrdreg s3  }
0xa9: {  	[dreg:$0x3] =	wrdreg s5  }
0xaa: {  	[dreg:$0x4] =	wrdreg $0xC0  }
0xab: {  	_ =	task [dreg:s7], $0x5FFFF  }
0xac: {  	[dreg:$0x1] =	wrdreg $0xFFFFFFFF  }
0xad: {  	[dreg:$0x0] =	wrdreg $0x60  }
0xae: {  	[dreg:$0x2] =	wrdreg s2  }
0xaf: {  	[dreg:$0x3] =	wrdreg s24  }
0xb0: {  	[dreg:$0x4] =	wrdreg $0xA9000  }
0xb1: {  	[dreg:$0x5] =	wrdreg $0x9  }
0xb2: {  	_ =	task.clear_ibuf [dreg:s7], $0x6FFFF;
	_ =	strace $0x90000049  }
0xb3: {  	s29 =	simm.s32 $0x9;
	_ =	strace $0x8000004B  }
0xb4: {  	_ =	swait.ge [sflag:s29], $0x1  }
0xb5: {  	[sflag:s29] =	ssyncadd.s32 $0xFFFFFFFF  }
0xb6: {  	_ =	strace $0x9000004B  }
0xb7: {  	_ =	sfence  }
0xb8: {  	s30 =	sld [smem:$0x0];
	_ =	sdelay $0x2  }
0xb9: {  	s31 =	sshll.u32 s1, $0xD;
	s1 =	sshrl.u32 s1, $0x2  }
0xba: {  	s3 =	sand.u32 $0x4000, s31;
	s1 =	sadd.s32 s1, s30  }
0xbb: {  	s0 =	sor.u32 s3, s0;
	s1 =	sshll.u32 s1, $0x11  }
0xbc: {  	s0 =	sor.u32 s1, s0  }
0xbd: {  	s0 =	sadd.s32 $0x8F2B, s0  }
0xbe: {  	[sflag:s0] =	ssyncadd.remote.s32 $0x1  }
0xbf: {  	_ =	sfence.sel $0xFFFF  }
0xc0: {  	[dreg:$0x0] =	wrdreg $0xFFFFFFFF;
	(pc) =	sbr.abs _section_cstart, $3  }
0xc1: {  	[dreg:$0x1] =	wrdreg $0xFFFFFFFF  }
0xc2: {  	_ =	task.clear_ibuf [dreg:s7], $0x2FFFF;
	_ =	strace $0x9FFFFFFF  }
0xc3: {  	(tm) =	ssettm $0x7FFFFFFF  }
tec
execute0_lowered:
.L_overlay_start_1:
0x0: {  	(tag) =	ssettag $0x1  }
0x1: {  	s1 =	rddreg [dreg:$0x0]  }
0x2: {  	s0 =	srdreg.scid;
	s5 =	rddreg [dreg:$0x1]  }
0x3: {  	s11 =	stileid.u32;
	s3 =	rddreg [dreg:$0x2];
	s4 =	simm.s32 $0x0  }
0x4: {  	s17 =	simm.s32 $0x6;
	s18 =	simm.s32 $0x6900;
	s19 =	simm.s32 $0x2800  }
0x5: {  	s20 =	simm.s32 $0x2880;
	s21 =	simm.s32 $0x7D;
	s22 =	simm.s32 $0x2900  }
0x6: {  	s23 =	simm.s32 $0x5;
	s28 =	simm.s32 $0x2;
	s6 =	smul.u32 $0x2800, s11  }
0x7: {  	s29 =	simm.s32 $0x4;
	s30 =	simm.s32 $0x0;
	s9 =	smul.u32 $0x50000, s11  }
0x8: {  	s0 =	sand.u32 $0x1, s0;
	[smem:$0x7FF] =	sst s4;
	s16 =	smul.u32 $0x500, s11  }
0x9: {  	s13 =	sadd.s32 $0x51400, s5;
	s2 =	sshll.u32 s0, $0x4;
	s7 =	smul.u32 $0x28000, s0  }
0xa: {  	_ =	strace $0x8000004A;
	s25 =	ssub.s32 $0x2, s0;
	s0 =	smul.u32 $0x5000, s0  }
0xb: {  	s2 =	sor.u32 s11, s2;
	s26 =	sshrl.u32 s25, $0x1;
	s31 =	sshrl.u32 s9, $0x2  }
0xc: {  	s2 =	smul.u32 $0x500, s2;
	s6 =	sadd.s32 s6, s7;
	s15 =	ssub.s32 s25, s26  }
0xd: {  	s0 =	sadd.s32 s0, s13;
	s25 =	simm.s32 $0x1;
	s26 =	simm.s32 $0x3  }
0xe: {  	s14 =	sadd.s32 s6, s5;
	s6 =	sadd.s32 s31, s3;
	s0 =	sadd.s32 s16, s0  }
0xf: {  	s15 =	smax.u32 s15, $0x1;
	s8 =	sadd.s32 s2, s5;
	s7 =	sadd.s32 $0x3E80, s6  }
0x10: {  	s9 =	sadd.s32 $0xBB80, s6;
	s10 =	sadd.s32 $0xFA00, s6;
	s11 =	sadd.s32 $0x13880, s6  }
0x11: {  	s12 =	sadd.s32 s13, s2;
	s14 =	sadd.s32 $0x65400, s14;
	s16 =	sadd.s32 $0x30, s0  }
0x12: {  	v0 =	vimm.f32 $0.0e+00;
	s5 =	sadd.s32 $0x5B400, s8;
	s8 =	sadd.s32 $0x7D00, s6;
	s13 =	sadd.s32 $0x10, s12  }
.LBB2_1:
0x13: {  	[tilespmem:s4], [sflag:$0x6] =	stream.linear.gather [hbm4b:s5+s4], $0x2800, $0x38;
	[tilespmem:$0x1E900] =	vst v63  }
0x14: {  	_ =	swait.ge [sflag:s17], $0x2800  }
0x15: {  	[sflag:s17] =	ssyncset.done $0x0  }
0x16: {  	s2 =	simm.s32 $0x0;
	s31 =	simm.s32 $0x200;
	[sflag:s17] =	ssyncadd.s32 $0xFFFFD800  }
.LBB2_2:
0x17: {  	p0 =	sne.s32 s31, $0xF800;
	[tilespmem:s2+$0x6970] =	vst v0  }
0x18: {  	[tilespmem:s2+$0x6900] =	vst v0  }
0x19: {  	[tilespmem:s2+$0x6910] =	vst v0  }
.Ltmp0:
0x1a: {  	[tilespmem:s2+$0x6920] =	vst v0;
	(pc) =	sbr.rel @p0 .LBB2_2-.Ltmp0, $4  }
0x1b: {  	[tilespmem:s2+$0x6930] =	vst v0  }
0x1c: {  	[tilespmem:s2+$0x6940] =	vst v0  }
0x1d: {  	[tilespmem:s2+$0x6950] =	vst v0  }
0x1e: {  	[tilespmem:s2+$0x6960] =	vst v0;
	s2 =	sshra.s32 s31, $0x2;
	s31 =	sadd.s32 $0x200, s31  }
0x1f: {  	[tilespmem:s2+$0x6970] =	vst v0  }
0x20: {  	[tilespmem:s2+$0x6900] =	vst v0  }
0x21: {  	[tilespmem:s2+$0x6910] =	vst v0  }
0x22: {  	[tilespmem:s2+$0x6920] =	vst v0  }
0x23: {  	[tilespmem:s2+$0x6930] =	vst v0  }
0x24: {  	[tilespmem:s2+$0x6940] =	vst v0  }
0x25: {  	[tilespmem:s2+$0x6950] =	vst v0  }
0x26: {  	[tilespmem:s2+$0x6960] =	vst v0  }
0x27: {  	[spmem:s6] =	stream.linear.scatter [tilespmem:s18], [sflag:$0x5], $0x3E80, $0x38;
	[tilespmem:$0x1E900] =	vst v63  }
0x28: {  	_ = 	snop  }
0x29: {  	[spmem:s7] =	stream.linear.scatter [tilespmem:s18], [sflag:$0x5], $0x3E80, $0x38;
	[tilespmem:$0x1E900] =	vst v63  }
0x2a: {  	_ = 	snop  }
0x2b: {  	[spmem:s8] =	stream.linear.scatter [tilespmem:s18], [sflag:$0x5], $0x3E80, $0x38;
	[tilespmem:$0x1E900] =	vst v63  }
0x2c: {  	_ = 	snop  }
0x2d: {  	[spmem:s9] =	stream.linear.scatter [tilespmem:s18], [sflag:$0x5], $0x3E80, $0x38;
	[tilespmem:$0x1E900] =	vst v63  }
0x2e: {  	_ = 	snop  }
0x2f: {  	[spmem:s10] =	stream.linear.scatter [tilespmem:s18], [sflag:$0x5], $0x3E80, $0x38;
	[tilespmem:$0x1E900] =	vst v63  }
0x30: {  	_ = 	snop  }
0x31: {  	[spmem:s11] =	stream.linear.scatter [tilespmem:s18], [sflag:$0x5], $0x780, $0x38;
	[tilespmem:$0x1E900] =	vst v63  }
0x32: {  	s0 =	simm.s32 $0x0  }
0x33: {  	[tilespmem:s19], [sflag:$0x3] =	stream.linear.gather [hbm4b:s12+s0], $0x80, $0x38;
	[tilespmem:$0x1E900] =	vst v63  }
0x34: {  	_ = 	snop  }
0x35: {  	[tilespmem:s20], [sflag:$0x4] =	stream.linear.gather [hbm4b:s13+s0], $0x80, $0x38;
	[tilespmem:$0x1E900] =	vst v63  }
0x36: {  	_ = 	snop  }
0x37: {  	[tilespmem:s22], [sflag:$0x1] =	stream.indirect.gather [hbm4b:s1+s21], $0x80, s0, s21, $0xb8;
	[tilespmem:$0x1E900] =	vst v63  }
0x38: {  	_ =	swait.ge [sflag:s23], $0x3E80  }
0x39: {  	[sflag:s23] =	ssyncset.done $0x0  }
0x3a: {  	[sflag:s23] =	ssyncadd.s32 $0xFFFFC180  }
0x3b: {  	_ =	swait.ge [sflag:s23], $0x3E80  }
0x3c: {  	[sflag:s23] =	ssyncset.done $0x0  }
0x3d: {  	[sflag:s23] =	ssyncadd.s32 $0xFFFFC180  }
0x3e: {  	_ =	swait.ge [sflag:s23], $0x3E80  }
0x3f: {  	[sflag:s23] =	ssyncset.done $0x0  }
0x40: {  	[sflag:s23] =	ssyncadd.s32 $0xFFFFC180  }
0x41: {  	_ =	swait.ge [sflag:s23], $0x3E80  }
0x42: {  	[sflag:s23] =	ssyncset.done $0x0  }
0x43: {  	[sflag:s23] =	ssyncadd.s32 $0xFFFFC180  }
0x44: {  	_ =	swait.ge [sflag:s23], $0x3E80  }
0x45: {  	[sflag:s23] =	ssyncset.done $0x0  }
0x46: {  	[sflag:s23] =	ssyncadd.s32 $0xFFFFC180  }
0x47: {  	_ =	swait.ge [sflag:s23], $0x780  }
0x48: {  	[sflag:s23] =	ssyncset.done $0x0  }
0x49: {  	s24 =	simm.s32 $0x80;
	[sflag:s23] =	ssyncadd.s32 $0xFFFFF880  }
0x4a: {  	[tilespmem:s18], [sflag:$0x2] =	stream.indirect.gather [hbm4b:s1+s21], $0x80, s24, s21, $0xb8;
	[tilespmem:$0x1E900] =	vst v63  }
0x4b: {  	[bflag:$0x0] =	sbarrier.arrive $0xFFFF  }
0x4c: {  	_ =	swait.ge [sflag:s25], $0x3E80  }
0x4d: {  	[sflag:s25] =	ssyncset.done $0x0  }
0x4e: {  	[sflag:s25] =	ssyncadd.s32 $0xFFFFC180  }
0x4f: {  	_ =	swait.ge [sflag:s26], $0x80  }
0x50: {  	[sflag:s26] =	ssyncset.done $0x0  }
0x51: {  	[sflag:s26] =	ssyncadd.s32 $0xFFFFFF80  }
0x52: {  	[spmem:s3] =	stream.indirect.scatter.add.f32 [tilespmem:s22], [sflag:$0x6], $0x80, s19, s21, $0xb8;
	[tilespmem:$0x1E900] =	vst v63  }
0x53: {  	_ =	swait.ge [sflag:s17], $0x3E80  }
0x54: {  	[sflag:s17] =	ssyncset.done $0x0  }
0x55: {  	s2 =	sadd.s32 $0xFFFFFFF0, s16;
	[sflag:s17] =	ssyncadd.s32 $0xFFFFC180  }
0x56: {  	[tilespmem:s19], [sflag:$0x3] =	stream.linear.gather [hbm4b:s2+s4], $0x80, $0x38;
	[tilespmem:$0x1E900] =	vst v63  }
0x57: {  	s24 =	simm.s32 $0x100  }
0x58: {  	[tilespmem:s22], [sflag:$0x1] =	stream.indirect.gather [hbm4b:s1+s21], $0x80, s24, s21, $0xb8;
	[tilespmem:$0x1E900] =	vst v63  }
0x59: {  	_ =	swait.ge [sflag:s28], $0x3E80  }
0x5a: {  	[sflag:s28] =	ssyncset.done $0x0  }
0x5b: {  	[sflag:s28] =	ssyncadd.s32 $0xFFFFC180  }
0x5c: {  	_ =	swait.ge [sflag:s29], $0x80  }
0x5d: {  	[sflag:s29] =	ssyncset.done $0x0  }
0x5e: {  	[sflag:s29] =	ssyncadd.s32 $0xFFFFFF80  }
0x5f: {  	[spmem:s3] =	stream.indirect.scatter.add.f32 [tilespmem:s18], [sflag:$0x6], $0x80, s20, s21, $0xb8;
	[tilespmem:$0x1E900] =	vst v63  }
0x60: {  	_ =	swait.ge [sflag:s17], $0x3E80  }
0x61: {  	s31 =	simm.s32 $0x400;
	[sflag:s17] =	ssyncset.done $0x0  }
0x62: {  	s0 =	simm.s32 $0x180;
	s2 =	sadd.s32 $0x20, s16;
	[sflag:s17] =	ssyncadd.s32 $0xFFFFC180  }
0x63: {  	[tilespmem:s20], [sflag:$0x4] =	stream.linear.gather [hbm4b:s16+s4], $0x80, $0x38;
	[tilespmem:$0x1E900] =	vst v63  }
.LBB2_4:
0x64: {  	[tilespmem:s18], [sflag:$0x2] =	stream.indirect.gather [hbm4b:s1+s21], $0x80, s0, s21, $0xb8;
	[tilespmem:$0x1E900] =	vst v63  }
0x65: {  	s0 =	smov.u32 s31  }
0x66: {  	p0 =	sne.s32 s31, $0x9800;
	s31 =	sadd.s32 $0x400, s31;
	_ =	swait.ge [sflag:s25], $0x3E80  }
0x67: {  	[sflag:s25] =	ssyncset.done $0x0  }
0x68: {  	[sflag:s25] =	ssyncadd.s32 $0xFFFFC180  }
0x69: {  	_ =	swait.ge [sflag:s26], $0x80  }
0x6a: {  	[sflag:s26] =	ssyncset.done $0x0  }
0x6b: {  	[sflag:s26] =	ssyncadd.s32 $0xFFFFFF80  }
0x6c: {  	[spmem:s3] =	stream.indirect.scatter.add.f32 [tilespmem:s22], [sflag:$0x6], $0x80, s19, s21, $0xb8;
	[tilespmem:$0x1E900] =	vst v63  }
0x6d: {  	_ =	swait.ge [sflag:s17], $0x3E80  }
0x6e: {  	[sflag:s17] =	ssyncset.done $0x0  }
0x6f: {  	s24 =	sadd.s32 $0xFFFFFFF0, s2;
	s0 =	sshra.s32 s0, $0x2;
	[sflag:s17] =	ssyncadd.s32 $0xFFFFC180  }
0x70: {  	[tilespmem:s19], [sflag:$0x3] =	stream.linear.gather [hbm4b:s24+s4], $0x80, $0x38;
	[tilespmem:$0x1E900] =	vst v63  }
0x71: {  	s24 =	sadd.s32 $0x100, s0  }
0x72: {  	[tilespmem:s22], [sflag:$0x1] =	stream.indirect.gather [hbm4b:s1+s21], $0x80, s24, s21, $0xb8;
	[tilespmem:$0x1E900] =	vst v63  }
0x73: {  	_ =	swait.ge [sflag:s28], $0x3E80  }
0x74: {  	[sflag:s28] =	ssyncset.done $0x0  }
0x75: {  	[sflag:s28] =	ssyncadd.s32 $0xFFFFC180  }
0x76: {  	_ =	swait.ge [sflag:s29], $0x80  }
0x77: {  	[sflag:s29] =	ssyncset.done $0x0  }
0x78: {  	[sflag:s29] =	ssyncadd.s32 $0xFFFFFF80  }
0x79: {  	[spmem:s3] =	stream.indirect.scatter.add.f32 [tilespmem:s18], [sflag:$0x6], $0x80, s20, s21, $0xb8;
	[tilespmem:$0x1E900] =	vst v63  }
.Ltmp1:
0x7a: {  	_ =	swait.ge [sflag:s17], $0x3E80;
	(pc) =	sbr.rel @p0 .LBB2_4-.Ltmp1, $4  }
0x7b: {  	[sflag:s17] =	ssyncset.done $0x0  }
0x7c: {  	[sflag:s17] =	ssyncadd.s32 $0xFFFFC180  }
0x7d: {  	[tilespmem:s20], [sflag:$0x4] =	stream.linear.gather [hbm4b:s2+s4], $0x80, $0x38;
	[tilespmem:$0x1E900] =	vst v63  }
0x7e: {  	s0 =	sadd.s32 $0x180, s0;
	s2 =	sadd.s32 $0x20, s2  }
0x7f: {  	[tilespmem:s18], [sflag:$0x2] =	stream.indirect.gather [hbm4b:s1+s21], $0x80, s0, s21, $0xb8;
	[tilespmem:$0x1E900] =	vst v63  }
0x80: {  	_ =	swait.ge [sflag:s25], $0x3E80  }
0x81: {  	[sflag:s25] =	ssyncset.done $0x0  }
0x82: {  	[sflag:s25] =	ssyncadd.s32 $0xFFFFC180  }
0x83: {  	_ =	swait.ge [sflag:s26], $0x80  }
0x84: {  	[sflag:s26] =	ssyncset.done $0x0  }
0x85: {  	[sflag:s26] =	ssyncadd.s32 $0xFFFFFF80  }
0x86: {  	[spmem:s3] =	stream.indirect.scatter.add.f32 [tilespmem:s22], [sflag:$0x6], $0x80, s19, s21, $0xb8;
	[tilespmem:$0x1E900] =	vst v63  }
0x87: {  	_ =	swait.ge [sflag:s17], $0x3E80  }
0x88: {  	[sflag:s17] =	ssyncset.done $0x0  }
0x89: {  	[sflag:s17] =	ssyncadd.s32 $0xFFFFC180  }
0x8a: {  	_ =	swait.ge [sflag:s28], $0x3E80  }
0x8b: {  	[sflag:s28] =	ssyncset.done $0x0  }
0x8c: {  	[sflag:s28] =	ssyncadd.s32 $0xFFFFC180  }
0x8d: {  	_ =	swait.ge [sflag:s29], $0x80  }
0x8e: {  	[sflag:s29] =	ssyncset.done $0x0  }
0x8f: {  	[sflag:s29] =	ssyncadd.s32 $0xFFFFFF80  }
0x90: {  	[spmem:s3] =	stream.indirect.scatter.add.f32 [tilespmem:s18], [sflag:$0x6], $0x80, s20, s21, $0xb8;
	[tilespmem:$0x1E900] =	vst v63  }
0x91: {  	s31 =	stileid.u32;
	_ =	swait.ge [sflag:s17], $0x3E80  }
0x92: {  	s2 =	sshrl.u32 s6, $0x3;
	s30 =	sadd.s32 $0x1, s30;
	[sflag:s17] =	ssyncset.done $0x0  }
0x93: {  	s0 =	sshll.u32 s31, $0x6;
	p0 =	sne.s32 s30, s15;
	[sflag:s17] =	ssyncadd.s32 $0xFFFFC180  }
.Ltmp2:
0x94: {  	s0 =	sor.u32 $0x1C06, s0;
	[bflag:$0x0] =	sbarrier.arrive $0xFFFF;
	(pc) =	sbr.rel @p0 .LBB2_1-.Ltmp2, $4  }
0x95: {  	[hbm:s14], [sflag:s0] =	dma.local [spmem:s2], $0x2800  }
0x96: {  	_ =	swait.ge [sflag:s17], $0x2800  }
0x97: {  	[sflag:s17] =	ssyncset.done $0x0  }
0x98: {  	[sflag:s17] =	ssyncadd.s32 $0xFFFFD800  }
0x99: {  	_ =	sfence.sel $0x180000  }
0x9a: {  	[bflag:$0x0] =	sbarrier.arrive $0xFFFF  }
0x9b: {  	_ =	strace $0x9000004A  }
0x9c: {  	s0 =	stileid.u32;
	[bflag:$0x2] =	sbarrier.arrive $0xFFFF  }
0x9d: {  	p0 =	sne.s32 s0, $0x0;
	s0 =	rddreg [dreg:$0x3]  }
0x9e: {  	s0 =	sadd.s32 @!p0 $0x100000, s0  }
0x9f: {  	[sflag:s0] =	ssyncadd.tile.s32 @!p0 $0x1;
	_ =	shalt  }
.Lfunc_end2:
_tile_overlayer_lowered:
.L_overlay_start_2:
0xa0: {  	(tag) =	ssettag $0x2  }
0xa1: {  	s0 =	rddreg [dreg:$0x0];
	s2 =	stileid.u32  }
0xa2: {  	s1 =	rddreg [dreg:$0x1];
	p0 =	sne.s32 s2, $0x0  }
0xa3: {  	s3 =	rddreg [dreg:$0x2];
	[bflag:$0x3] =	sbarrier.arrive $0xFFFF;
	s2 =	simm.s32 @!p0 $0x1C06  }
0xa4: {  	[timem:s3], [sflag:s2] =	dma.local @!p0 [hbm:s0], s1  }
0xa5: {  	s0 =	simm.s32 @!p0 $0x6  }
0xa6: {  	_ =	swait.ge @!p0 [sflag:s0], s1  }
0xa7: {  	s1 =	ssub.s32 @!p0 $0x0, s1;
	[sflag:s0] =	ssyncset.done @!p0 $0x0  }
0xa8: {  	[sflag:s0] =	ssyncadd.s32 @!p0 s1  }
0xa9: {  	[bflag:$0x3] =	sbarrier.arrive $0xFFFF  }
0xaa: {  	_ =	shalt  }

// kernel: kernel.14.cloned.1.call-start
scs
__scs_entry_jumppad:
0x0: {  	(pc) =	sbr.rel $0x88, $3  }
0x1: {  	(tag) =	ssettag $0x0;
	lr =	simm.s32 $0x1  }
0x2: {  	[smem:$0x3F9B] =	sst lr;
	_ =	strace $0xD0000000  }
0x3: {  	_ = 	snop  }
0x4: {  	_ = 	snop  }
0x5: {  	_ = 	snop  }
0x6: {  	_ = 	snop  }
0x7: {  	_ = 	snop  }
__scs_overlays_trampoline_lowered:
0x8: {  	[smem:$0x3FAA] =	sst s0  }
0x9: {  	[smem:$0x3FAB] =	sst s1  }
0xa: {  	[smem:$0x3FAC] =	sst s2  }
0xb: {  	[smem:$0x3FAD] =	sst s3  }
0xc: {  	[smem:$0x3FAE] =	sst s4  }
0xd: {  	[smem:$0x3FAF] =	sst s5  }
0xe: {  	[smem:$0x3FB0] =	sst s6  }
0xf: {  	[smem:$0x3FB1] =	sst s7  }
0x10: {  	[smem:$0x3FB2] =	sst s8  }
0x11: {  	[smem:$0x3FB3] =	sst s9;
	s0 =	simm.s32 @!p0 $0x0  }
0x12: {  	s1 =	sld [smem:$0x3F99];
	s0 =	simm.s32 @p0 $0x1  }
0x13: {  	[smem:$0x3FB4] =	sst s0;
	s0 =	simm.s32 @!p1 $0x0  }
0x14: {  	s2 =	sld [smem:$0x3F98];
	s0 =	simm.s32 @p1 $0x1  }
0x15: {  	[smem:$0x3FB5] =	sst s0;
	s0 =	simm.s32 @!p2 $0x0  }
0x16: {  	s3 =	sld [smem:$0x3FDB];
	s0 =	simm.s32 @p2 $0x1  }
0x17: {  	s4 =	simm.s32 $0x1BF5;
	[smem:$0x3FB7] =	sst s0  }
0x18: {  	s0 =	sld [smem:$0x3F9A];
	_ =	swait.ge [sflag:s4], $0x0  }
0x19: {  	s7 =	sld [smem:$0x3F9B]  }
0x1a: {  	s8 =	sadd.s32 $0xFFFFE003, lr  }
0x1b: {  	s9 =	sadd.s32 $0xFFFFFEF7, lr;
	s5 =	simm.s32 $0xFFFFFFFF;
	p2 =	slt.u32 s8, $0xFFFFF086  }
0x1c: {  	p1 =	slt.u32 s9, $0xF7A;
	s5 =	simm.s32 @!p2 $0x0  }
0x1d: {  	s5 =	simm.s32 @p1 $0x1;
	p0 =	seq.s32 s7, s2  }
0x1e: {  	s7 =	smul.u32 @!p0 $0xF7A, s2;
	p2 =	seq.s32 @!p0 s5, $0x0  }
0x1f: {  	s9 =	smul.u32 $0xF7A, s1;
	s8 =	simm.s32 @!p0 $0x1BF5;
	p2 =	por !p2, p0  }
0x20: {  	[sflag:s8] =	ssyncset.s32 @!p0 $0xFFFFF086;
	s6 =	sadd.s32 @!p0 s3, s7;
	s7 =	simm.s32 @!p0 $0x108  }
0x21: {  	s3 =	sadd.s32 s3, s9;
	s6 =	sadd.s32 @!p0 $0x88, s6;
	s7 =	simm.s32 @p2 $0x1082  }
0x22: {  	[simem:s7], [sflag:s8] =	dma.local @!p0 [hbm:s6], $0xF7A  }
0x23: {  	s9 =	sor.u32 $0xD0000000, s2;
	s6 =	simm.s32 $0x108;
	_ =	swait.ge @!p0 [sflag:s8], $0x0  }
0x24: {  	s3 =	sadd.s32 $0x88, s3;
	s6 =	simm.s32 @!p1 $0x1082;
	[sflag:s4] =	ssyncset.s32 $0xFFFFF086  }
0x25: {  	[simem:s6], [sflag:s4] =	dma.local [hbm:s3], $0xF7A  }
0x26: {  	[smem:$0x3F9B] =	sst s1;
	(tag) =	ssettag s2;
	_ =	strace s9  }
0x27: {  	s1 =	sld [smem:$0x3FAB]  }
0x28: {  	s2 =	sld [smem:$0x3FAC]  }
0x29: {  	s4 =	sld [smem:$0x3FAE]  }
0x2a: {  	p0 =	seq.s32 s5, $0x0;
	s5 =	sld [smem:$0x3FAF]  }
0x2b: {  	s6 =	sld [smem:$0x3FB0]  }
0x2c: {  	s7 =	sld [smem:$0x3FB1]  }
0x2d: {  	s3 =	simm.s32 $0x108;
	s8 =	sld [smem:$0x3FB2]  }
0x2e: {  	s3 =	simm.s32 @!p0 $0x1082;
	s9 =	sld [smem:$0x3FB3]  }
0x2f: {  	lr =	sadd.s32 s0, s3;
	s0 =	sld [smem:$0x3FAA]  }
0x30: {  	s3 =	sld [smem:$0x3FAD]  }
0x31: {  	[smem:$0x3FB6] =	sst s10  }
0x32: {  	s10 =	sld [smem:$0x3FB4];
	_ =	sdelay $0x3  }
0x33: {  	p0 =	seq.s32 s10, $0x1;
	s10 =	sld [smem:$0x3FB6];
	_ =	sdelay $0x3  }
0x34: {  	[smem:$0x3FB6] =	sst s10  }
0x35: {  	s10 =	sld [smem:$0x3FB5];
	_ =	sdelay $0x3  }
0x36: {  	p1 =	seq.s32 s10, $0x1;
	s10 =	sld [smem:$0x3FB6];
	_ =	sdelay $0x3  }
0x37: {  	[smem:$0x3FB6] =	sst s10  }
0x38: {  	s10 =	sld [smem:$0x3FB7]  }
0x39: {  	_ = 	snop;
	(pc) =	sbr.ind lr, $3  }
0x3a: {  	_ = 	snop  }
0x3b: {  	_ = 	snop  }
0x3c: {  	p2 =	seq.s32 s10, $0x1;
	s10 =	sld [smem:$0x3FB6]  }
0x3d: {  	_ =	shalt  }
0x3e: {  	_ =	shalt  }
0x3f: {  	_ =	shalt  }
0x40: {  	_ =	shalt  }
0x41: {  	_ =	shalt  }
0x42: {  	_ =	shalt  }
0x43: {  	_ =	shalt  }
0x44: {  	_ =	shalt  }
0x45: {  	_ =	shalt  }
0x46: {  	_ =	shalt  }
0x47: {  	_ =	shalt  }
0x48: {  	_ =	shalt  }
0x49: {  	_ =	shalt  }
0x4a: {  	_ =	shalt  }
0x4b: {  	_ =	shalt  }
0x4c: {  	_ =	shalt  }
0x4d: {  	_ =	shalt  }
0x4e: {  	_ =	shalt  }
0x4f: {  	_ =	shalt  }
0x50: {  	_ =	shalt  }
0x51: {  	_ =	shalt  }
0x52: {  	_ =	shalt  }
0x53: {  	_ =	shalt  }
0x54: {  	_ =	shalt  }
0x55: {  	_ =	shalt  }
0x56: {  	_ =	shalt  }
0x57: {  	_ =	shalt  }
0x58: {  	_ =	shalt  }
0x59: {  	_ =	shalt  }
0x5a: {  	_ =	shalt  }
0x5b: {  	_ =	shalt  }
0x5c: {  	_ =	shalt  }
0x5d: {  	_ =	shalt  }
0x5e: {  	_ =	shalt  }
0x5f: {  	_ =	shalt  }
0x60: {  	_ =	shalt  }
0x61: {  	_ =	shalt  }
0x62: {  	_ =	shalt  }
0x63: {  	_ =	shalt  }
0x64: {  	_ =	shalt  }
0x65: {  	_ =	shalt  }
0x66: {  	_ =	shalt  }
0x67: {  	_ =	shalt  }
0x68: {  	_ =	shalt  }
0x69: {  	_ =	shalt  }
0x6a: {  	_ =	shalt  }
0x6b: {  	_ =	shalt  }
0x6c: {  	_ =	shalt  }
0x6d: {  	_ =	shalt  }
0x6e: {  	_ =	shalt  }
0x6f: {  	_ =	shalt  }
0x70: {  	_ =	shalt  }
0x71: {  	_ =	shalt  }
0x72: {  	_ =	shalt  }
0x73: {  	_ =	shalt  }
0x74: {  	_ =	shalt  }
0x75: {  	_ =	shalt  }
0x76: {  	_ =	shalt  }
0x77: {  	_ =	shalt  }
0x78: {  	_ =	shalt  }
0x79: {  	_ =	shalt  }
0x7a: {  	_ =	shalt  }
0x7b: {  	_ =	shalt  }
0x7c: {  	_ =	shalt  }
0x7d: {  	_ =	shalt  }
0x7e: {  	_ =	shalt  }
0x7f: {  	_ =	shalt  }
0x80: {  	_ =	shalt  }
0x81: {  	_ =	shalt  }
0x82: {  	_ =	shalt  }
0x83: {  	_ =	shalt  }
0x84: {  	_ =	shalt  }
0x85: {  	_ =	shalt  }
0x86: {  	_ =	shalt  }
0x87: {  	_ =	shalt  }
.Lfunc_end0:
.L_simem_size_0:
called_computation.2_lowered:
.L_overlay_start_0:
0x88: {  	s2 =	sld [smem:$0x3FD9]  }
0x89: {  	s3 =	sld [smem:$0x3FFE];
	_ =	sdelay $0x1  }
0x8a: {  	s1 =	srdreg.scid  }
0x8b: {  	s0 =	sand.u32 $0x1, s1  }
0x8c: {  	s17 =	sshll.u32 s0, $0xA;
	s2 =	sadd.s32 s3, s2  }
0x8d: {  	s2 =	sadd.s32 s2, s17  }
0x8e: {  	[smem:$0x3FC2] =	sst s2  }
0x8f: {  	_ = 	snop  }
0x90: {  	s2 =	sld [smem:$0x3FD0];
	(tm) =	ssettm $0x1  }
0x91: {  	s18 =	sld [smem:$0x3FFB];
	_ =	sdelay $0x3  }
0x92: {  	_ =	strace s18  }
0x93: {  	s3 =	sld [smem:$0x3FFC];
	_ =	sdelay $0x3  }
0x94: {  	_ =	strace s3  }
0x95: {  	s3 =	sld [smem:$0x3FFD];
	_ =	sdelay $0x3  }
0x96: {  	_ =	strace s3  }
0x97: {  	_ =	strace $0x8FFFFFFF  }
0x98: {  	s19 =	sld [smem:$0x3FDB];
	_ =	sdelay $0x1  }
0x99: {  	s4 =	simm.s32 $_scs_section_size  }
0x9a: {  	s5 =	simm.s32 $_size__tile_overlayer_lowered;
	s6 =	simm.s32 $_tile_overlayer_lowered  }
0x9b: {  	s22 =	simm.s32 $0x1BFF;
	s21 =	sshll.u32 s6, $0x1;
	s3 =	sadd.s32 s4, s19  }
0x9c: {  	s7 =	simm.s32 $0x0;
	s20 =	sshll.u32 s5, $0x1;
	s5 =	sadd.s32 s21, s3  }
0x9d: {  	[timem:s7], [sflag:s22] =	dma.local [hbm:s5], s20  }
0x9e: {  	_ =	swait.ge [sflag:s22], s20  }
0x9f: {  	s4 =	ssub.s32 $0x0, s20;
	[sflag:s22] =	ssyncset.done $0x0  }
0xa0: {  	[sflag:s22] =	ssyncadd.s32 s4;
	_ =	sdelay $0x1  }
0xa1: {  	s23 =	simm.s32 $0x1B8B  }
0xa2: {  	_ =	swait.ge [sflag:s23], $0x1  }
0xa3: {  	[sflag:s23] =	ssyncset.done $0x0  }
0xa4: {  	s25 =	simm.s32 $0x1B8E;
	s24 =	sld [smem:$0x3FFE];
	[sflag:s23] =	ssyncadd.s32 $0xFFFFFFFF  }
0xa5: {  	s26 =	simm.s32 $execute0_lowered;
	[smem:$0x3FD2] =	sst s25  }
0xa6: {  	s5 =	sshll.u32 s26, $0x1;
	_ =	strace $0x8000004C;
	[dreg:$0x1] =	wrdreg $0xFFFFFFFF  }
0xa7: {  	s28 =	simm.s32 $_size_execute0_lowered;
	s3 =	sadd.s32 s3, s5;
	[dreg:$0x0] =	wrdreg $0x0  }
0xa8: {  	s5 =	sshll.u32 s28, $0x1;
	[dreg:$0x2] =	wrdreg s3  }
0xa9: {  	[dreg:$0x3] =	wrdreg s5  }
0xaa: {  	[dreg:$0x4] =	wrdreg $0xC0  }
0xab: {  	_ =	task [dreg:s7], $0x5FFFF  }
0xac: {  	[dreg:$0x1] =	wrdreg $0xFFFFFFFF  }
0xad: {  	[dreg:$0x0] =	wrdreg $0x60  }
0xae: {  	[dreg:$0x2] =	wrdreg s2  }
0xaf: {  	[dreg:$0x3] =	wrdreg s24  }
0xb0: {  	[dreg:$0x4] =	wrdreg $0xA9000  }
0xb1: {  	[dreg:$0x5] =	wrdreg $0x9  }
0xb2: {  	_ =	task.clear_ibuf [dreg:s7], $0x6FFFF;
	_ =	strace $0x9000004C  }
0xb3: {  	s29 =	simm.s32 $0x9;
	_ =	strace $0x8000004E  }
0xb4: {  	_ =	swait.ge [sflag:s29], $0x1  }
0xb5: {  	[sflag:s29] =	ssyncadd.s32 $0xFFFFFFFF  }
0xb6: {  	_ =	strace $0x9000004E  }
0xb7: {  	_ =	sfence  }
0xb8: {  	s30 =	sld [smem:$0x0];
	_ =	sdelay $0x2  }
0xb9: {  	s31 =	sshll.u32 s1, $0xD;
	s1 =	sshrl.u32 s1, $0x2  }
0xba: {  	s3 =	sand.u32 $0x4000, s31;
	s1 =	sadd.s32 s1, s30  }
0xbb: {  	s0 =	sor.u32 s3, s0;
	s1 =	sshll.u32 s1, $0x11  }
0xbc: {  	s0 =	sor.u32 s1, s0  }
0xbd: {  	s0 =	sadd.s32 $0x8F2B, s0  }
0xbe: {  	[sflag:s0] =	ssyncadd.remote.s32 $0x1  }
0xbf: {  	_ =	sfence.sel $0xFFFF  }
0xc0: {  	[dreg:$0x0] =	wrdreg $0xFFFFFFFF;
	(pc) =	sbr.abs _section_cstart, $3  }
0xc1: {  	[dreg:$0x1] =	wrdreg $0xFFFFFFFF  }
0xc2: {  	_ =	task.clear_ibuf [dreg:s7], $0x2FFFF;
	_ =	strace $0x9FFFFFFF  }
0xc3: {  	(tm) =	ssettm $0x7FFFFFFF  }
tec
execute0_lowered:
.L_overlay_start_1:
0x0: {  	(tag) =	ssettag $0x1  }
0x1: {  	s1 =	rddreg [dreg:$0x0]  }
0x2: {  	s0 =	srdreg.scid;
	s5 =	rddreg [dreg:$0x1]  }
0x3: {  	s11 =	stileid.u32;
	s3 =	rddreg [dreg:$0x2];
	s4 =	simm.s32 $0x0  }
0x4: {  	s17 =	simm.s32 $0x6;
	s18 =	simm.s32 $0x6900;
	s19 =	simm.s32 $0x2800  }
0x5: {  	s20 =	simm.s32 $0x2880;
	s21 =	simm.s32 $0x7D;
	s22 =	simm.s32 $0x2900  }
0x6: {  	s23 =	simm.s32 $0x5;
	s28 =	simm.s32 $0x2;
	s6 =	smul.u32 $0x2800, s11  }
0x7: {  	s29 =	simm.s32 $0x4;
	s30 =	simm.s32 $0x0;
	s9 =	smul.u32 $0x50000, s11  }
0x8: {  	s0 =	sand.u32 $0x1, s0;
	[smem:$0x7FF] =	sst s4;
	s16 =	smul.u32 $0x500, s11  }
0x9: {  	s13 =	sadd.s32 $0x51400, s5;
	s2 =	sshll.u32 s0, $0x4;
	s7 =	smul.u32 $0x28000, s0  }
0xa: {  	_ =	strace $0x8000004D;
	s25 =	ssub.s32 $0x2, s0;
	s0 =	smul.u32 $0x5000, s0  }
0xb: {  	s2 =	sor.u32 s11, s2;
	s26 =	sshrl.u32 s25, $0x1;
	s31 =	sshrl.u32 s9, $0x2  }
0xc: {  	s2 =	smul.u32 $0x500, s2;
	s6 =	sadd.s32 s6, s7;
	s15 =	ssub.s32 s25, s26  }
0xd: {  	s0 =	sadd.s32 s0, s13;
	s25 =	simm.s32 $0x1;
	s26 =	simm.s32 $0x3  }
0xe: {  	s14 =	sadd.s32 s6, s5;
	s6 =	sadd.s32 s31, s3;
	s0 =	sadd.s32 s16, s0  }
0xf: {  	s15 =	smax.u32 s15, $0x1;
	s8 =	sadd.s32 s2, s5;
	s7 =	sadd.s32 $0x3E80, s6  }
0x10: {  	s9 =	sadd.s32 $0xBB80, s6;
	s10 =	sadd.s32 $0xFA00, s6;
	s11 =	sadd.s32 $0x13880, s6  }
0x11: {  	s12 =	sadd.s32 s13, s2;
	s14 =	sadd.s32 $0x65400, s14;
	s16 =	sadd.s32 $0x30, s0  }
0x12: {  	v0 =	vimm.f32 $0.0e+00;
	s5 =	sadd.s32 $0x5B400, s8;
	s8 =	sadd.s32 $0x7D00, s6;
	s13 =	sadd.s32 $0x10, s12  }
.LBB2_1:
0x13: {  	[tilespmem:s4], [sflag:$0x6] =	stream.linear.gather [hbm4b:s5+s4], $0x2800, $0x38;
	[tilespmem:$0x1E900] =	vst v63  }
0x14: {  	_ =	swait.ge [sflag:s17], $0x2800  }
0x15: {  	[sflag:s17] =	ssyncset.done $0x0  }
0x16: {  	s2 =	simm.s32 $0x0;
	s31 =	simm.s32 $0x200;
	[sflag:s17] =	ssyncadd.s32 $0xFFFFD800  }
.LBB2_2:
0x17: {  	p0 =	sne.s32 s31, $0xF800;
	[tilespmem:s2+$0x6970] =	vst v0  }
0x18: {  	[tilespmem:s2+$0x6900] =	vst v0  }
0x19: {  	[tilespmem:s2+$0x6910] =	vst v0  }
.Ltmp0:
0x1a: {  	[tilespmem:s2+$0x6920] =	vst v0;
	(pc) =	sbr.rel @p0 .LBB2_2-.Ltmp0, $4  }
0x1b: {  	[tilespmem:s2+$0x6930] =	vst v0  }
0x1c: {  	[tilespmem:s2+$0x6940] =	vst v0  }
0x1d: {  	[tilespmem:s2+$0x6950] =	vst v0  }
0x1e: {  	[tilespmem:s2+$0x6960] =	vst v0;
	s2 =	sshra.s32 s31, $0x2;
	s31 =	sadd.s32 $0x200, s31  }
0x1f: {  	[tilespmem:s2+$0x6970] =	vst v0  }
0x20: {  	[tilespmem:s2+$0x6900] =	vst v0  }
0x21: {  	[tilespmem:s2+$0x6910] =	vst v0  }
0x22: {  	[tilespmem:s2+$0x6920] =	vst v0  }
0x23: {  	[tilespmem:s2+$0x6930] =	vst v0  }
0x24: {  	[tilespmem:s2+$0x6940] =	vst v0  }
0x25: {  	[tilespmem:s2+$0x6950] =	vst v0  }
0x26: {  	[tilespmem:s2+$0x6960] =	vst v0  }
0x27: {  	[spmem:s6] =	stream.linear.scatter [tilespmem:s18], [sflag:$0x5], $0x3E80, $0x38;
	[tilespmem:$0x1E900] =	vst v63  }
0x28: {  	_ = 	snop  }
0x29: {  	[spmem:s7] =	stream.linear.scatter [tilespmem:s18], [sflag:$0x5], $0x3E80, $0x38;
	[tilespmem:$0x1E900] =	vst v63  }
0x2a: {  	_ = 	snop  }
0x2b: {  	[spmem:s8] =	stream.linear.scatter [tilespmem:s18], [sflag:$0x5], $0x3E80, $0x38;
	[tilespmem:$0x1E900] =	vst v63  }
0x2c: {  	_ = 	snop  }
0x2d: {  	[spmem:s9] =	stream.linear.scatter [tilespmem:s18], [sflag:$0x5], $0x3E80, $0x38;
	[tilespmem:$0x1E900] =	vst v63  }
0x2e: {  	_ = 	snop  }
0x2f: {  	[spmem:s10] =	stream.linear.scatter [tilespmem:s18], [sflag:$0x5], $0x3E80, $0x38;
	[tilespmem:$0x1E900] =	vst v63  }
0x30: {  	_ = 	snop  }
0x31: {  	[spmem:s11] =	stream.linear.scatter [tilespmem:s18], [sflag:$0x5], $0x780, $0x38;
	[tilespmem:$0x1E900] =	vst v63  }
0x32: {  	s0 =	simm.s32 $0x0  }
0x33: {  	[tilespmem:s19], [sflag:$0x3] =	stream.linear.gather [hbm4b:s12+s0], $0x80, $0x38;
	[tilespmem:$0x1E900] =	vst v63  }
0x34: {  	_ = 	snop  }
0x35: {  	[tilespmem:s20], [sflag:$0x4] =	stream.linear.gather [hbm4b:s13+s0], $0x80, $0x38;
	[tilespmem:$0x1E900] =	vst v63  }
0x36: {  	_ = 	snop  }
0x37: {  	[tilespmem:s22], [sflag:$0x1] =	stream.indirect.gather [hbm4b:s1+s21], $0x80, s0, s21, $0xb8;
	[tilespmem:$0x1E900] =	vst v63  }
0x38: {  	_ =	swait.ge [sflag:s23], $0x3E80  }
0x39: {  	[sflag:s23] =	ssyncset.done $0x0  }
0x3a: {  	[sflag:s23] =	ssyncadd.s32 $0xFFFFC180  }
0x3b: {  	_ =	swait.ge [sflag:s23], $0x3E80  }
0x3c: {  	[sflag:s23] =	ssyncset.done $0x0  }
0x3d: {  	[sflag:s23] =	ssyncadd.s32 $0xFFFFC180  }
0x3e: {  	_ =	swait.ge [sflag:s23], $0x3E80  }
0x3f: {  	[sflag:s23] =	ssyncset.done $0x0  }
0x40: {  	[sflag:s23] =	ssyncadd.s32 $0xFFFFC180  }
0x41: {  	_ =	swait.ge [sflag:s23], $0x3E80  }
0x42: {  	[sflag:s23] =	ssyncset.done $0x0  }
0x43: {  	[sflag:s23] =	ssyncadd.s32 $0xFFFFC180  }
0x44: {  	_ =	swait.ge [sflag:s23], $0x3E80  }
0x45: {  	[sflag:s23] =	ssyncset.done $0x0  }
0x46: {  	[sflag:s23] =	ssyncadd.s32 $0xFFFFC180  }
0x47: {  	_ =	swait.ge [sflag:s23], $0x780  }
0x48: {  	[sflag:s23] =	ssyncset.done $0x0  }
0x49: {  	s24 =	simm.s32 $0x80;
	[sflag:s23] =	ssyncadd.s32 $0xFFFFF880  }
0x4a: {  	[tilespmem:s18], [sflag:$0x2] =	stream.indirect.gather [hbm4b:s1+s21], $0x80, s24, s21, $0xb8;
	[tilespmem:$0x1E900] =	vst v63  }
0x4b: {  	[bflag:$0x0] =	sbarrier.arrive $0xFFFF  }
0x4c: {  	_ =	swait.ge [sflag:s25], $0x3E80  }
0x4d: {  	[sflag:s25] =	ssyncset.done $0x0  }
0x4e: {  	[sflag:s25] =	ssyncadd.s32 $0xFFFFC180  }
0x4f: {  	_ =	swait.ge [sflag:s26], $0x80  }
0x50: {  	[sflag:s26] =	ssyncset.done $0x0  }
0x51: {  	[sflag:s26] =	ssyncadd.s32 $0xFFFFFF80  }
0x52: {  	[spmem:s3] =	stream.indirect.scatter.add.f32 [tilespmem:s22], [sflag:$0x6], $0x80, s19, s21, $0xb8;
	[tilespmem:$0x1E900] =	vst v63  }
0x53: {  	_ =	swait.ge [sflag:s17], $0x3E80  }
0x54: {  	[sflag:s17] =	ssyncset.done $0x0  }
0x55: {  	s2 =	sadd.s32 $0xFFFFFFF0, s16;
	[sflag:s17] =	ssyncadd.s32 $0xFFFFC180  }
0x56: {  	[tilespmem:s19], [sflag:$0x3] =	stream.linear.gather [hbm4b:s2+s4], $0x80, $0x38;
	[tilespmem:$0x1E900] =	vst v63  }
0x57: {  	s24 =	simm.s32 $0x100  }
0x58: {  	[tilespmem:s22], [sflag:$0x1] =	stream.indirect.gather [hbm4b:s1+s21], $0x80, s24, s21, $0xb8;
	[tilespmem:$0x1E900] =	vst v63  }
0x59: {  	_ =	swait.ge [sflag:s28], $0x3E80  }
0x5a: {  	[sflag:s28] =	ssyncset.done $0x0  }
0x5b: {  	[sflag:s28] =	ssyncadd.s32 $0xFFFFC180  }
0x5c: {  	_ =	swait.ge [sflag:s29], $0x80  }
0x5d: {  	[sflag:s29] =	ssyncset.done $0x0  }
0x5e: {  	[sflag:s29] =	ssyncadd.s32 $0xFFFFFF80  }
0x5f: {  	[spmem:s3] =	stream.indirect.scatter.add.f32 [tilespmem:s18], [sflag:$0x6], $0x80, s20, s21, $0xb8;
	[tilespmem:$0x1E900] =	vst v63  }
0x60: {  	_ =	swait.ge [sflag:s17], $0x3E80  }
0x61: {  	s31 =	simm.s32 $0x400;
	[sflag:s17] =	ssyncset.done $0x0  }
0x62: {  	s0 =	simm.s32 $0x180;
	s2 =	sadd.s32 $0x20, s16;
	[sflag:s17] =	ssyncadd.s32 $0xFFFFC180  }
0x63: {  	[tilespmem:s20], [sflag:$0x4] =	stream.linear.gather [hbm4b:s16+s4], $0x80, $0x38;
	[tilespmem:$0x1E900] =	vst v63  }
.LBB2_4:
0x64: {  	[tilespmem:s18], [sflag:$0x2] =	stream.indirect.gather [hbm4b:s1+s21], $0x80, s0, s21, $0xb8;
	[tilespmem:$0x1E900] =	vst v63  }
0x65: {  	s0 =	smov.u32 s31  }
0x66: {  	p0 =	sne.s32 s31, $0x9800;
	s31 =	sadd.s32 $0x400, s31;
	_ =	swait.ge [sflag:s25], $0x3E80  }
0x67: {  	[sflag:s25] =	ssyncset.done $0x0  }
0x68: {  	[sflag:s25] =	ssyncadd.s32 $0xFFFFC180  }
0x69: {  	_ =	swait.ge [sflag:s26], $0x80  }
0x6a: {  	[sflag:s26] =	ssyncset.done $0x0  }
0x6b: {  	[sflag:s26] =	ssyncadd.s32 $0xFFFFFF80  }
0x6c: {  	[spmem:s3] =	stream.indirect.scatter.add.f32 [tilespmem:s22], [sflag:$0x6], $0x80, s19, s21, $0xb8;
	[tilespmem:$0x1E900] =	vst v63  }
0x6d: {  	_ =	swait.ge [sflag:s17], $0x3E80  }
0x6e: {  	[sflag:s17] =	ssyncset.done $0x0  }
0x6f: {  	s24 =	sadd.s32 $0xFFFFFFF0, s2;
	s0 =	sshra.s32 s0, $0x2;
	[sflag:s17] =	ssyncadd.s32 $0xFFFFC180  }
0x70: {  	[tilespmem:s19], [sflag:$0x3] =	stream.linear.gather [hbm4b:s24+s4], $0x80, $0x38;
	[tilespmem:$0x1E900] =	vst v63  }
0x71: {  	s24 =	sadd.s32 $0x100, s0  }
0x72: {  	[tilespmem:s22], [sflag:$0x1] =	stream.indirect.gather [hbm4b:s1+s21], $0x80, s24, s21, $0xb8;
	[tilespmem:$0x1E900] =	vst v63  }
0x73: {  	_ =	swait.ge [sflag:s28], $0x3E80  }
0x74: {  	[sflag:s28] =	ssyncset.done $0x0  }
0x75: {  	[sflag:s28] =	ssyncadd.s32 $0xFFFFC180  }
0x76: {  	_ =	swait.ge [sflag:s29], $0x80  }
0x77: {  	[sflag:s29] =	ssyncset.done $0x0  }
0x78: {  	[sflag:s29] =	ssyncadd.s32 $0xFFFFFF80  }
0x79: {  	[spmem:s3] =	stream.indirect.scatter.add.f32 [tilespmem:s18], [sflag:$0x6], $0x80, s20, s21, $0xb8;
	[tilespmem:$0x1E900] =	vst v63  }
.Ltmp1:
0x7a: {  	_ =	swait.ge [sflag:s17], $0x3E80;
	(pc) =	sbr.rel @p0 .LBB2_4-.Ltmp1, $4  }
0x7b: {  	[sflag:s17] =	ssyncset.done $0x0  }
0x7c: {  	[sflag:s17] =	ssyncadd.s32 $0xFFFFC180  }
0x7d: {  	[tilespmem:s20], [sflag:$0x4] =	stream.linear.gather [hbm4b:s2+s4], $0x80, $0x38;
	[tilespmem:$0x1E900] =	vst v63  }
0x7e: {  	s0 =	sadd.s32 $0x180, s0;
	s2 =	sadd.s32 $0x20, s2  }
0x7f: {  	[tilespmem:s18], [sflag:$0x2] =	stream.indirect.gather [hbm4b:s1+s21], $0x80, s0, s21, $0xb8;
	[tilespmem:$0x1E900] =	vst v63  }
0x80: {  	_ =	swait.ge [sflag:s25], $0x3E80  }
0x81: {  	[sflag:s25] =	ssyncset.done $0x0  }
0x82: {  	[sflag:s25] =	ssyncadd.s32 $0xFFFFC180  }
0x83: {  	_ =	swait.ge [sflag:s26], $0x80  }
0x84: {  	[sflag:s26] =	ssyncset.done $0x0  }
0x85: {  	[sflag:s26] =	ssyncadd.s32 $0xFFFFFF80  }
0x86: {  	[spmem:s3] =	stream.indirect.scatter.add.f32 [tilespmem:s22], [sflag:$0x6], $0x80, s19, s21, $0xb8;
	[tilespmem:$0x1E900] =	vst v63  }
0x87: {  	_ =	swait.ge [sflag:s17], $0x3E80  }
0x88: {  	[sflag:s17] =	ssyncset.done $0x0  }
0x89: {  	[sflag:s17] =	ssyncadd.s32 $0xFFFFC180  }
0x8a: {  	_ =	swait.ge [sflag:s28], $0x3E80  }
0x8b: {  	[sflag:s28] =	ssyncset.done $0x0  }
0x8c: {  	[sflag:s28] =	ssyncadd.s32 $0xFFFFC180  }
0x8d: {  	_ =	swait.ge [sflag:s29], $0x80  }
0x8e: {  	[sflag:s29] =	ssyncset.done $0x0  }
0x8f: {  	[sflag:s29] =	ssyncadd.s32 $0xFFFFFF80  }
0x90: {  	[spmem:s3] =	stream.indirect.scatter.add.f32 [tilespmem:s18], [sflag:$0x6], $0x80, s20, s21, $0xb8;
	[tilespmem:$0x1E900] =	vst v63  }
0x91: {  	s31 =	stileid.u32;
	_ =	swait.ge [sflag:s17], $0x3E80  }
0x92: {  	s2 =	sshrl.u32 s6, $0x3;
	s30 =	sadd.s32 $0x1, s30;
	[sflag:s17] =	ssyncset.done $0x0  }
0x93: {  	s0 =	sshll.u32 s31, $0x6;
	p0 =	sne.s32 s30, s15;
	[sflag:s17] =	ssyncadd.s32 $0xFFFFC180  }
.Ltmp2:
0x94: {  	s0 =	sor.u32 $0x1C06, s0;
	[bflag:$0x0] =	sbarrier.arrive $0xFFFF;
	(pc) =	sbr.rel @p0 .LBB2_1-.Ltmp2, $4  }
0x95: {  	[hbm:s14], [sflag:s0] =	dma.local [spmem:s2], $0x2800  }
0x96: {  	_ =	swait.ge [sflag:s17], $0x2800  }
0x97: {  	[sflag:s17] =	ssyncset.done $0x0  }
0x98: {  	[sflag:s17] =	ssyncadd.s32 $0xFFFFD800  }
0x99: {  	_ =	sfence.sel $0x180000  }
0x9a: {  	[bflag:$0x0] =	sbarrier.arrive $0xFFFF  }
0x9b: {  	_ =	strace $0x9000004D  }
0x9c: {  	s0 =	stileid.u32;
	[bflag:$0x2] =	sbarrier.arrive $0xFFFF  }
0x9d: {  	p0 =	sne.s32 s0, $0x0;
	s0 =	rddreg [dreg:$0x3]  }
0x9e: {  	s0 =	sadd.s32 @!p0 $0x100000, s0  }
0x9f: {  	[sflag:s0] =	ssyncadd.tile.s32 @!p0 $0x1;
	_ =	shalt  }
.Lfunc_end2:
_tile_overlayer_lowered:
.L_overlay_start_2:
0xa0: {  	(tag) =	ssettag $0x2  }
0xa1: {  	s0 =	rddreg [dreg:$0x0];
	s2 =	stileid.u32  }
0xa2: {  	s1 =	rddreg [dreg:$0x1];
	p0 =	sne.s32 s2, $0x0  }
0xa3: {  	s3 =	rddreg [dreg:$0x2];
	[bflag:$0x3] =	sbarrier.arrive $0xFFFF;
	s2 =	simm.s32 @!p0 $0x1C06  }
0xa4: {  	[timem:s3], [sflag:s2] =	dma.local @!p0 [hbm:s0], s1  }
0xa5: {  	s0 =	simm.s32 @!p0 $0x6  }
0xa6: {  	_ =	swait.ge @!p0 [sflag:s0], s1  }
0xa7: {  	s1 =	ssub.s32 @!p0 $0x0, s1;
	[sflag:s0] =	ssyncset.done @!p0 $0x0  }
0xa8: {  	[sflag:s0] =	ssyncadd.s32 @!p0 s1  }
0xa9: {  	[bflag:$0x3] =	sbarrier.arrive $0xFFFF  }
0xaa: {  	_ =	shalt  }

// kernel: kernel.8.cloned.1.call-start
scs
__scs_entry_jumppad:
0x0: {  	(pc) =	sbr.rel $0x88, $3  }
0x1: {  	(tag) =	ssettag $0x0;
	lr =	simm.s32 $0x1  }
0x2: {  	[smem:$0x3F9B] =	sst lr;
	_ =	strace $0xD0000000  }
0x3: {  	_ = 	snop  }
0x4: {  	_ = 	snop  }
0x5: {  	_ = 	snop  }
0x6: {  	_ = 	snop  }
0x7: {  	_ = 	snop  }
__scs_overlays_trampoline_lowered:
0x8: {  	[smem:$0x3FAA] =	sst s0  }
0x9: {  	[smem:$0x3FAB] =	sst s1  }
0xa: {  	[smem:$0x3FAC] =	sst s2  }
0xb: {  	[smem:$0x3FAD] =	sst s3  }
0xc: {  	[smem:$0x3FAE] =	sst s4  }
0xd: {  	[smem:$0x3FAF] =	sst s5  }
0xe: {  	[smem:$0x3FB0] =	sst s6  }
0xf: {  	[smem:$0x3FB1] =	sst s7  }
0x10: {  	[smem:$0x3FB2] =	sst s8  }
0x11: {  	[smem:$0x3FB3] =	sst s9;
	s0 =	simm.s32 @!p0 $0x0  }
0x12: {  	s1 =	sld [smem:$0x3F99];
	s0 =	simm.s32 @p0 $0x1  }
0x13: {  	[smem:$0x3FB4] =	sst s0;
	s0 =	simm.s32 @!p1 $0x0  }
0x14: {  	s2 =	sld [smem:$0x3F98];
	s0 =	simm.s32 @p1 $0x1  }
0x15: {  	[smem:$0x3FB5] =	sst s0;
	s0 =	simm.s32 @!p2 $0x0  }
0x16: {  	s3 =	sld [smem:$0x3FDB];
	s0 =	simm.s32 @p2 $0x1  }
0x17: {  	s4 =	simm.s32 $0x1BF5;
	[smem:$0x3FB7] =	sst s0  }
0x18: {  	s0 =	sld [smem:$0x3F9A];
	_ =	swait.ge [sflag:s4], $0x0  }
0x19: {  	s7 =	sld [smem:$0x3F9B]  }
0x1a: {  	s8 =	sadd.s32 $0xFFFFE003, lr  }
0x1b: {  	s9 =	sadd.s32 $0xFFFFFEF7, lr;
	s5 =	simm.s32 $0xFFFFFFFF;
	p2 =	slt.u32 s8, $0xFFFFF086  }
0x1c: {  	p1 =	slt.u32 s9, $0xF7A;
	s5 =	simm.s32 @!p2 $0x0  }
0x1d: {  	s5 =	simm.s32 @p1 $0x1;
	p0 =	seq.s32 s7, s2  }
0x1e: {  	s7 =	smul.u32 @!p0 $0xF7A, s2;
	p2 =	seq.s32 @!p0 s5, $0x0  }
0x1f: {  	s9 =	smul.u32 $0xF7A, s1;
	s8 =	simm.s32 @!p0 $0x1BF5;
	p2 =	por !p2, p0  }
0x20: {  	[sflag:s8] =	ssyncset.s32 @!p0 $0xFFFFF086;
	s6 =	sadd.s32 @!p0 s3, s7;
	s7 =	simm.s32 @!p0 $0x108  }
0x21: {  	s3 =	sadd.s32 s3, s9;
	s6 =	sadd.s32 @!p0 $0x88, s6;
	s7 =	simm.s32 @p2 $0x1082  }
0x22: {  	[simem:s7], [sflag:s8] =	dma.local @!p0 [hbm:s6], $0xF7A  }
0x23: {  	s9 =	sor.u32 $0xD0000000, s2;
	s6 =	simm.s32 $0x108;
	_ =	swait.ge @!p0 [sflag:s8], $0x0  }
0x24: {  	s3 =	sadd.s32 $0x88, s3;
	s6 =	simm.s32 @!p1 $0x1082;
	[sflag:s4] =	ssyncset.s32 $0xFFFFF086  }
0x25: {  	[simem:s6], [sflag:s4] =	dma.local [hbm:s3], $0xF7A  }
0x26: {  	[smem:$0x3F9B] =	sst s1;
	(tag) =	ssettag s2;
	_ =	strace s9  }
0x27: {  	s1 =	sld [smem:$0x3FAB]  }
0x28: {  	s2 =	sld [smem:$0x3FAC]  }
0x29: {  	s4 =	sld [smem:$0x3FAE]  }
0x2a: {  	p0 =	seq.s32 s5, $0x0;
	s5 =	sld [smem:$0x3FAF]  }
0x2b: {  	s6 =	sld [smem:$0x3FB0]  }
0x2c: {  	s7 =	sld [smem:$0x3FB1]  }
0x2d: {  	s3 =	simm.s32 $0x108;
	s8 =	sld [smem:$0x3FB2]  }
0x2e: {  	s3 =	simm.s32 @!p0 $0x1082;
	s9 =	sld [smem:$0x3FB3]  }
0x2f: {  	lr =	sadd.s32 s0, s3;
	s0 =	sld [smem:$0x3FAA]  }
0x30: {  	s3 =	sld [smem:$0x3FAD]  }
0x31: {  	[smem:$0x3FB6] =	sst s10  }
0x32: {  	s10 =	sld [smem:$0x3FB4];
	_ =	sdelay $0x3  }
0x33: {  	p0 =	seq.s32 s10, $0x1;
	s10 =	sld [smem:$0x3FB6];
	_ =	sdelay $0x3  }
0x34: {  	[smem:$0x3FB6] =	sst s10  }
0x35: {  	s10 =	sld [smem:$0x3FB5];
	_ =	sdelay $0x3  }
0x36: {  	p1 =	seq.s32 s10, $0x1;
	s10 =	sld [smem:$0x3FB6];
	_ =	sdelay $0x3  }
0x37: {  	[smem:$0x3FB6] =	sst s10  }
0x38: {  	s10 =	sld [smem:$0x3FB7]  }
0x39: {  	_ = 	snop;
	(pc) =	sbr.ind lr, $3  }
0x3a: {  	_ = 	snop  }
0x3b: {  	_ = 	snop  }
0x3c: {  	p2 =	seq.s32 s10, $0x1;
	s10 =	sld [smem:$0x3FB6]  }
0x3d: {  	_ =	shalt  }
0x3e: {  	_ =	shalt  }
0x3f: {  	_ =	shalt  }
0x40: {  	_ =	shalt  }
0x41: {  	_ =	shalt  }
0x42: {  	_ =	shalt  }
0x43: {  	_ =	shalt  }
0x44: {  	_ =	shalt  }
0x45: {  	_ =	shalt  }
0x46: {  	_ =	shalt  }
0x47: {  	_ =	shalt  }
0x48: {  	_ =	shalt  }
0x49: {  	_ =	shalt  }
0x4a: {  	_ =	shalt  }
0x4b: {  	_ =	shalt  }
0x4c: {  	_ =	shalt  }
0x4d: {  	_ =	shalt  }
0x4e: {  	_ =	shalt  }
0x4f: {  	_ =	shalt  }
0x50: {  	_ =	shalt  }
0x51: {  	_ =	shalt  }
0x52: {  	_ =	shalt  }
0x53: {  	_ =	shalt  }
0x54: {  	_ =	shalt  }
0x55: {  	_ =	shalt  }
0x56: {  	_ =	shalt  }
0x57: {  	_ =	shalt  }
0x58: {  	_ =	shalt  }
0x59: {  	_ =	shalt  }
0x5a: {  	_ =	shalt  }
0x5b: {  	_ =	shalt  }
0x5c: {  	_ =	shalt  }
0x5d: {  	_ =	shalt  }
0x5e: {  	_ =	shalt  }
0x5f: {  	_ =	shalt  }
0x60: {  	_ =	shalt  }
0x61: {  	_ =	shalt  }
0x62: {  	_ =	shalt  }
0x63: {  	_ =	shalt  }
0x64: {  	_ =	shalt  }
0x65: {  	_ =	shalt  }
0x66: {  	_ =	shalt  }
0x67: {  	_ =	shalt  }
0x68: {  	_ =	shalt  }
0x69: {  	_ =	shalt  }
0x6a: {  	_ =	shalt  }
0x6b: {  	_ =	shalt  }
0x6c: {  	_ =	shalt  }
0x6d: {  	_ =	shalt  }
0x6e: {  	_ =	shalt  }
0x6f: {  	_ =	shalt  }
0x70: {  	_ =	shalt  }
0x71: {  	_ =	shalt  }
0x72: {  	_ =	shalt  }
0x73: {  	_ =	shalt  }
0x74: {  	_ =	shalt  }
0x75: {  	_ =	shalt  }
0x76: {  	_ =	shalt  }
0x77: {  	_ =	shalt  }
0x78: {  	_ =	shalt  }
0x79: {  	_ =	shalt  }
0x7a: {  	_ =	shalt  }
0x7b: {  	_ =	shalt  }
0x7c: {  	_ =	shalt  }
0x7d: {  	_ =	shalt  }
0x7e: {  	_ =	shalt  }
0x7f: {  	_ =	shalt  }
0x80: {  	_ =	shalt  }
0x81: {  	_ =	shalt  }
0x82: {  	_ =	shalt  }
0x83: {  	_ =	shalt  }
0x84: {  	_ =	shalt  }
0x85: {  	_ =	shalt  }
0x86: {  	_ =	shalt  }
0x87: {  	_ =	shalt  }
.Lfunc_end0:
.L_simem_size_0:
called_computation_lowered:
.L_overlay_start_0:
0x88: {  	s2 =	sld [smem:$0x3FD9]  }
0x89: {  	s3 =	sld [smem:$0x3FFE];
	_ =	sdelay $0x1  }
0x8a: {  	s1 =	srdreg.scid  }
0x8b: {  	s0 =	sand.u32 $0x1, s1  }
0x8c: {  	s17 =	sshll.u32 s0, $0xA;
	s2 =	sadd.s32 s3, s2  }
0x8d: {  	s2 =	sadd.s32 s2, s17  }
0x8e: {  	[smem:$0x3FC2] =	sst s2  }
0x8f: {  	_ = 	snop  }
0x90: {  	s2 =	sld [smem:$0x3FD0];
	(tm) =	ssettm $0x1  }
0x91: {  	s18 =	sld [smem:$0x3FFB];
	_ =	sdelay $0x3  }
0x92: {  	_ =	strace s18  }
0x93: {  	s3 =	sld [smem:$0x3FFC];
	_ =	sdelay $0x3  }
0x94: {  	_ =	strace s3  }
0x95: {  	s3 =	sld [smem:$0x3FFD];
	_ =	sdelay $0x3  }
0x96: {  	_ =	strace s3  }
0x97: {  	_ =	strace $0x8FFFFFFF  }
0x98: {  	s19 =	sld [smem:$0x3FDB];
	_ =	sdelay $0x1  }
0x99: {  	s4 =	simm.s32 $_scs_section_size  }
0x9a: {  	s5 =	simm.s32 $_size__tile_overlayer_lowered;
	s6 =	simm.s32 $_tile_overlayer_lowered  }
0x9b: {  	s22 =	simm.s32 $0x1BFF;
	s21 =	sshll.u32 s6, $0x1;
	s3 =	sadd.s32 s4, s19  }
0x9c: {  	s7 =	simm.s32 $0x0;
	s20 =	sshll.u32 s5, $0x1;
	s5 =	sadd.s32 s21, s3  }
0x9d: {  	[timem:s7], [sflag:s22] =	dma.local [hbm:s5], s20  }
0x9e: {  	_ =	swait.ge [sflag:s22], s20  }
0x9f: {  	s4 =	ssub.s32 $0x0, s20;
	[sflag:s22] =	ssyncset.done $0x0  }
0xa0: {  	[sflag:s22] =	ssyncadd.s32 s4;
	_ =	sdelay $0x1  }
0xa1: {  	s23 =	simm.s32 $0x1B8B  }
0xa2: {  	_ =	swait.ge [sflag:s23], $0x1  }
0xa3: {  	[sflag:s23] =	ssyncset.done $0x0  }
0xa4: {  	s25 =	simm.s32 $0x1B8E;
	s24 =	sld [smem:$0x3FFE];
	[sflag:s23] =	ssyncadd.s32 $0xFFFFFFFF  }
0xa5: {  	s26 =	simm.s32 $execute0_lowered;
	[smem:$0x3FD2] =	sst s25  }
0xa6: {  	s5 =	sshll.u32 s26, $0x1;
	_ =	strace $0x80000046;
	[dreg:$0x1] =	wrdreg $0xFFFFFFFF  }
0xa7: {  	s28 =	simm.s32 $_size_execute0_lowered;
	s3 =	sadd.s32 s3, s5;
	[dreg:$0x0] =	wrdreg $0x0  }
0xa8: {  	s5 =	sshll.u32 s28, $0x1;
	[dreg:$0x2] =	wrdreg s3  }
0xa9: {  	[dreg:$0x3] =	wrdreg s5  }
0xaa: {  	[dreg:$0x4] =	wrdreg $0xC0  }
0xab: {  	_ =	task [dreg:s7], $0x5FFFF  }
0xac: {  	[dreg:$0x1] =	wrdreg $0xFFFFFFFF  }
0xad: {  	[dreg:$0x0] =	wrdreg $0x60  }
0xae: {  	[dreg:$0x2] =	wrdreg s24  }
0xaf: {  	[dreg:$0x3] =	wrdreg s2  }
0xb0: {  	[dreg:$0x4] =	wrdreg $0x164800  }
0xb1: {  	[dreg:$0x5] =	wrdreg $0x9  }
0xb2: {  	_ =	task.clear_ibuf [dreg:s7], $0x6FFFF;
	_ =	strace $0x90000046  }
0xb3: {  	s29 =	simm.s32 $0x9;
	_ =	strace $0x80000048  }
0xb4: {  	_ =	swait.ge [sflag:s29], $0x1  }
0xb5: {  	[sflag:s29] =	ssyncadd.s32 $0xFFFFFFFF  }
0xb6: {  	_ =	strace $0x90000048  }
0xb7: {  	_ =	sfence  }
0xb8: {  	s30 =	sld [smem:$0x0];
	_ =	sdelay $0x2  }
0xb9: {  	s31 =	sshll.u32 s1, $0xD;
	s1 =	sshrl.u32 s1, $0x2  }
0xba: {  	s3 =	sand.u32 $0x4000, s31;
	s1 =	sadd.s32 s1, s30  }
0xbb: {  	s0 =	sor.u32 s3, s0;
	s1 =	sshll.u32 s1, $0x11  }
0xbc: {  	s0 =	sor.u32 s1, s0  }
0xbd: {  	s0 =	sadd.s32 $0x8F2B, s0  }
0xbe: {  	[sflag:s0] =	ssyncadd.remote.s32 $0x1  }
0xbf: {  	_ =	sfence.sel $0xFFFF  }
0xc0: {  	[dreg:$0x0] =	wrdreg $0xFFFFFFFF;
	(pc) =	sbr.abs _section_cstart, $3  }
0xc1: {  	[dreg:$0x1] =	wrdreg $0xFFFFFFFF  }
0xc2: {  	_ =	task.clear_ibuf [dreg:s7], $0x2FFFF;
	_ =	strace $0x9FFFFFFF  }
0xc3: {  	(tm) =	ssettm $0x7FFFFFFF  }
tec
execute0_lowered:
.L_overlay_start_1:
0x0: {  	(tag) =	ssettag $0x1  }
0x1: {  	s3 =	rddreg [dreg:$0x0]  }
0x2: {  	s0 =	srdreg.scid;
	s4 =	rddreg [dreg:$0x1]  }
0x3: {  	s1 =	rddreg [dreg:$0x2];
	s6 =	stileid.u32;
	s5 =	sand.u32 $0x1, s0  }
0x4: {  	s0 =	rddreg [dreg:$0x3];
	p0 =	sne.s32 s6, $0x0;
	s2 =	sshll.u32 s5, $0x4  }
0x5: {  	s8 =	ssub.s32 $0x2, s5;
	s5 =	smul.u32 $0x500, s5;
	s10 =	sshrl.u32 @!p0 s1, $0x3  }
0x6: {  	s7 =	sor.u32 s6, s2;
	s2 =	simm.s32 $0x0;
	s9 =	sshrl.u32 s8, $0x1  }
0x7: {  	s6 =	simm.s32 $0x1;
	s7 =	smul.u32 $0x2780, s7;
	[smem:$0x7FF] =	sst s2  }
0x8: {  	v0 =	vlaneseq.u32;
	s31 =	ssub.s32 s8, s9;
	s4 =	sadd.s32 s4, s5;
	s8 =	simm.s32 $0x50  }
0x9: {  	v1 =	vimm.f32 $0.0e+00;
	v6 =	vimm.f32 $1.000000000e+00;
	v2 =	vor.u32 $0x10, v0;
	s9 =	simm.s32 $0x16400;
	_ =	strace $0x80000047;
	s3 =	sadd.s32 s7, s3  }
0xa: {  	v3 =	vor.u32 $0x20, v0;
	v4 =	vor.u32 $0x30, v0;
	v5 =	vor.u32 $0x40, v0;
	s5 =	smax.u32 s31, $0x1;
	s7 =	simm.s32 $0x13C00;
	s3 =	sadd.s32 $0x2400, s3  }
.LBB2_1:
0xb: {  	s11 =	simm.s32 $0x0;
	s12 =	simm.s32 $0x200  }
.LBB2_2:
0xc: {  	p1 =	sne.s32 s12, $0x9E00;
	[tilespmem:s11+$0x13C70] =	vst v1  }
0xd: {  	[tilespmem:s11+$0x13C00] =	vst v1  }
0xe: {  	[tilespmem:s11+$0x13C10] =	vst v1  }
.Ltmp0:
0xf: {  	[tilespmem:s11+$0x13C20] =	vst v1;
	(pc) =	sbr.rel @p1 .LBB2_2-.Ltmp0, $4  }
0x10: {  	[tilespmem:s11+$0x13C30] =	vst v1  }
0x11: {  	[tilespmem:s11+$0x13C40] =	vst v1  }
0x12: {  	[tilespmem:s11+$0x13C50] =	vst v1  }
0x13: {  	[tilespmem:s11+$0x13C60] =	vst v1;
	s11 =	sshra.s32 s12, $0x2;
	s12 =	sadd.s32 $0x200, s12  }
0x14: {  	[tilespmem:s11+$0x13C70] =	vst v1  }
0x15: {  	[tilespmem:s11+$0x13C00] =	vst v1  }
0x16: {  	[tilespmem:s11+$0x13C10] =	vst v1  }
0x17: {  	[tilespmem:s11+$0x13C20] =	vst v1  }
0x18: {  	[tilespmem:s11+$0x13C30] =	vst v1  }
0x19: {  	[tilespmem:s11+$0x13C40] =	vst v1  }
0x1a: {  	[tilespmem:s11+$0x13C50] =	vst v1  }
0x1b: {  	[tilespmem:s11+$0x13C60] =	vst v1;
	s11 =	simm.s32 @!p0 $0x13C00  }
0x1c: {  	[spmem:s1] =	stream.linear.scatter @!p0 [tilespmem:s11], [sflag:$0x1], $0x2800, $0x38;
	[tilespmem:$0x16700] =	vst v63  }
0x1d: {  	s11 =	simm.s32 @!p0 $0x1  }
0x1e: {  	_ =	swait.ge @!p0 [sflag:s11], $0x2800  }
0x1f: {  	[sflag:s11] =	ssyncset.done @!p0 $0x0  }
0x20: {  	[sflag:s11] =	ssyncadd.s32 @!p0 $0xFFFFD800  }
0x21: {  	[tilespmem:$0x16400] =	vst v0  }
0x22: {  	[tilespmem:$0x16410] =	vst v2  }
0x23: {  	[tilespmem:$0x16420] =	vst v3  }
0x24: {  	[tilespmem:$0x16430] =	vst v4  }
0x25: {  	s11 =	simm.s32 $0x0;
	[tilespmem:$0x16440] =	vst v5  }
0x26: {  	[tilespmem:s11], [sflag:$0x1] =	stream.linear.gather [hbm4b:s3+s11], $0x13880, $0x38;
	[tilespmem:$0x16700] =	vst v63  }
0x27: {  	_ =	swait.ge [sflag:s6], $0x13880  }
0x28: {  	[sflag:s6] =	ssyncset.done $0x0  }
0x29: {  	[sflag:s6] =	ssyncadd.s32 $0xFFFEC780  }
.LBB2_4:
0x2a: {  	s12 =	sshra.s32 s11, $0x2  }
0x2b: {  	v7 =	vld [tilespmem:s12+$0x0];
	_ =	sdelay $0x7  }
0x2c: {  	[tilespmem:v7+s7+$0x0] =	vst.idx.add.f32.msk $0xffff, v6  }
0x2d: {  	v7 =	vld [tilespmem:s12+$0x80];
	_ =	sdelay $0x7  }
0x2e: {  	[tilespmem:v7+s7+$0x0] =	vst.idx.add.f32.msk $0xffff, v6  }
0x2f: {  	v7 =	vld [tilespmem:s12+$0x100];
	_ =	sdelay $0x7  }
0x30: {  	[tilespmem:v7+s7+$0x0] =	vst.idx.add.f32.msk $0xffff, v6  }
0x31: {  	v7 =	vld [tilespmem:s12+$0x180];
	_ =	sdelay $0x7  }
0x32: {  	[tilespmem:v7+s7+$0x0] =	vst.idx.add.f32.msk $0xffff, v6  }
0x33: {  	v7 =	vld [tilespmem:s12+$0x200];
	_ =	sdelay $0x2  }
0x34: {  	p1 =	sne.s32 s11, $0x4D800  }
.Ltmp1:
0x35: {  	_ = 	snop;
	(pc) =	sbr.rel @p1 .LBB2_4-.Ltmp1, $2  }
0x36: {  	_ =	sdelay $0x2  }
0x37: {  	s11 =	sadd.s32 $0xA00, s11;
	[tilespmem:v7+s7+$0x0] =	vst.idx.add.f32.msk $0xffff, v6  }
0x38: {  	[bflag:$0x0] =	sbarrier.arrive $0xFFFF  }
0x39: {  	[spmem:s1] =	stream.indirect.scatter.add.f32 [tilespmem:s7], [sflag:$0x1], $0x80, s9, s8, $0xb8;
	[tilespmem:$0x16700] =	vst v63  }
0x3a: {  	_ =	swait.ge [sflag:s6], $0x2800  }
0x3b: {  	[sflag:s6] =	ssyncset.done $0x0  }
0x3c: {  	s2 =	sadd.s32 $0x1, s2;
	[sflag:s6] =	ssyncadd.s32 $0xFFFFD800  }
0x3d: {  	s11 =	simm.s32 @!p0 $0x1C01;
	p1 =	sne.s32 s2, s5;
	[bflag:$0x0] =	sbarrier.arrive $0xFFFF  }
0x3e: {  	[hbm:s4], [sflag:s11] =	dma.local @!p0 [spmem:s10], $0x500  }
.Ltmp2:
0x3f: {  	_ = 	snop;
	(pc) =	sbr.rel @p1 .LBB2_1-.Ltmp2, $4  }
0x40: {  	s11 =	simm.s32 @!p0 $0x1  }
0x41: {  	_ =	swait.ge @!p0 [sflag:s11], $0x500  }
0x42: {  	[sflag:s11] =	ssyncset.done @!p0 $0x0  }
0x43: {  	[sflag:s11] =	ssyncadd.s32 @!p0 $0xFFFFFB00  }
0x44: {  	_ =	sfence.sel $0x180000  }
0x45: {  	[bflag:$0x0] =	sbarrier.arrive $0xFFFF  }
0x46: {  	_ =	strace $0x90000047  }
0x47: {  	s0 =	sadd.s32 @!p0 $0x100000, s0;
	[bflag:$0x2] =	sbarrier.arrive $0xFFFF  }
0x48: {  	[sflag:s0] =	ssyncadd.tile.s32 @!p0 $0x1;
	_ =	shalt  }
.Lfunc_end2:
_tile_overlayer_lowered:
.L_overlay_start_2:
0x49: {  	(tag) =	ssettag $0x2  }
0x4a: {  	s0 =	rddreg [dreg:$0x0];
	s2 =	stileid.u32  }
0x4b: {  	s1 =	rddreg [dreg:$0x1];
	p0 =	sne.s32 s2, $0x0  }
0x4c: {  	s3 =	rddreg [dreg:$0x2];
	[bflag:$0x3] =	sbarrier.arrive $0xFFFF;
	s2 =	simm.s32 @!p0 $0x1C01  }
0x4d: {  	[timem:s3], [sflag:s2] =	dma.local @!p0 [hbm:s0], s1  }
0x4e: {  	s0 =	simm.s32 @!p0 $0x1  }
0x4f: {  	_ =	swait.ge @!p0 [sflag:s0], s1  }
0x50: {  	s1 =	ssub.s32 @!p0 $0x0, s1;
	[sflag:s0] =	ssyncset.done @!p0 $0x0  }
0x51: {  	[sflag:s0] =	ssyncadd.s32 @!p0 s1  }
0x52: {  	[bflag:$0x3] =	sbarrier.arrive $0xFFFF  }
0x53: {  	_ =	shalt  }

</sc_bundles>
